<compile_context>
chip_gen: v7x
topology: tpu7x:2x2x1
jax: 0.10.2.dev20260603
libtpu: 0.0.44.dev20260713+nightly
codegen_flags: <defaults>
</compile_context>

<pallas_src>
import functools

import jax
import jax.numpy as jnp
from jax import lax
from jax.experimental import pallas as pl
from jax.experimental.pallas import tpu as pltpu
from jax.experimental.pallas import tpu_sc as plsc

NC = 2
NS = 16
NW = NC * NS
CHUNK = 128
ROWS = 512

_MESH = plsc.VectorSubcoreMesh(core_axis_name="c", subcore_axis_name="s")


def _deg_body(dst_hbm, zs_hbm, ones_hbm, out_hbm, idx_v, ones_v, acc_sh, n_chunks):
    c = lax.axis_index("c")
    s = lax.axis_index("s")
    wid = c * NS + s

    @pl.when(s == 0)
    def _():
        pltpu.sync_copy(zs_hbm, acc_sh)

    pltpu.sync_copy(dst_hbm.at[wid], idx_v)
    pltpu.sync_copy(ones_hbm, ones_v)
    plsc.subcore_barrier()

    def chunk(i, carry):
        pltpu.sync_copy(ones_v, acc_sh.at[idx_v.at[i]], add=True)
        return carry

    lax.fori_loop(0, n_chunks, chunk, 0, unroll=False)
    plsc.subcore_barrier()

    @pl.when(s == 0)
    def _():
        pltpu.sync_copy(acc_sh, out_hbm.at[c])


def _agg_body(src_hbm, dst_hbm, y_hbm, zs_hbm, out_hbm,
              src_v, dst_v, rows_v, acc_sh, sem, n_chunks):
    c = lax.axis_index("c")
    s = lax.axis_index("s")
    wid = c * NS + s

    @pl.when(s == 0)
    def _():
        pltpu.sync_copy(zs_hbm, acc_sh)

    pltpu.sync_copy(src_hbm.at[wid], src_v)
    pltpu.sync_copy(dst_hbm.at[wid], dst_v)
    plsc.subcore_barrier()

    def chunk(i, carry):
        pltpu.async_copy(y_hbm.at[src_v.at[i]], rows_v, sem).wait()
        pltpu.sync_copy(rows_v, acc_sh.at[dst_v.at[i]], add=True)
        return carry

    lax.fori_loop(0, n_chunks, chunk, 0, unroll=False)
    plsc.subcore_barrier()

    @pl.when(s == 0)
    def _():
        pltpu.sync_copy(acc_sh, out_hbm.at[c])


def _mm1_body(x_ref, w_ref, degp_ref, y_ref, dinv_ref):
    deg = (jnp.sum(degp_ref[0] + degp_ref[1], axis=1, keepdims=True)
           * (1.0 / degp_ref.shape[-1]) + 1.0)
    dinv = lax.rsqrt(deg)
    dinv_ref[...] = dinv
    y_ref[...] = dinv * jnp.dot(x_ref[...], w_ref[...],
                                preferred_element_type=jnp.float32)


def _mm2_body(p_ref, y_ref, dinv_ref, b_ref, w_ref, y2_ref):
    dinv = dinv_ref[...]
    h = dinv * (p_ref[0] + p_ref[1] + y_ref[...]) + b_ref[...]
    h = jnp.maximum(h, 0.0)
    y2_ref[...] = dinv * jnp.dot(h, w_ref[...],
                                 preferred_element_type=jnp.float32)


def _fin_body(p_ref, y_ref, dinv_ref, b_ref, out_ref):
    out_ref[...] = dinv_ref[...] * (p_ref[0] + p_ref[1] + y_ref[...]) + b_ref[...]


def kernel(x, edge_index, W1, b1, W2, b2):
    n, d = x.shape
    e = edge_index.shape[1]
    n_pad = pl.cdiv(n, ROWS) * ROWS
    n_chunks = pl.cdiv(e, NW * CHUNK)
    e_pad = NW * n_chunks * CHUNK

    src = edge_index[0].astype(jnp.int32)
    dst = edge_index[1].astype(jnp.int32)
    pad = e_pad - e
    src3 = jnp.concatenate([src, jnp.zeros((pad,), jnp.int32)]
                           ).reshape(NW, n_chunks, CHUNK)
    dst3 = jnp.concatenate([dst, jnp.full((pad,), n_pad - 1, jnp.int32)]
                           ).reshape(NW, n_chunks, CHUNK)
    x_pad = jnp.pad(x, ((0, n_pad - n), (0, 0)))
    ones2 = jnp.ones((CHUNK, d), jnp.float32)
    zs = jnp.zeros((n_pad, d), jnp.float32)
    b1r = b1.reshape(1, d)
    b2r = b2.reshape(1, d)

    deg_parts = pl.kernel(
        functools.partial(_deg_body, n_chunks=n_chunks),
        out_type=jax.ShapeDtypeStruct((NC, n_pad, d), jnp.float32),
        mesh=_MESH,
        scratch_types=[
            pltpu.VMEM((n_chunks, CHUNK), jnp.int32),
            pltpu.VMEM((CHUNK, d), jnp.float32),
            pltpu.VMEM_SHARED((n_pad, d), jnp.float32),
        ],
    )(dst3, zs, ones2)

    agg = pl.kernel(
        functools.partial(_agg_body, n_chunks=n_chunks),
        out_type=jax.ShapeDtypeStruct((NC, n_pad, d), jnp.float32),
        mesh=_MESH,
        scratch_types=[
            pltpu.VMEM((n_chunks, CHUNK), jnp.int32),
            pltpu.VMEM((n_chunks, CHUNK), jnp.int32),
            pltpu.VMEM((CHUNK, d), jnp.float32),
            pltpu.VMEM_SHARED((n_pad, d), jnp.float32),
            pltpu.SemaphoreType.DMA,
        ],
    )

    grid = n_pad // ROWS
    row_blk = pl.BlockSpec((ROWS, d), lambda i: (i, 0))
    col_blk = pl.BlockSpec((ROWS, 1), lambda i: (i, 0))
    w_blk = pl.BlockSpec((d, d), lambda i: (0, 0))
    b_blk = pl.BlockSpec((1, d), lambda i: (0, 0))
    parts_blk_d = pl.BlockSpec((NC, ROWS, d), lambda i: (0, i, 0))

    y1, dinv = pl.pallas_call(
        _mm1_body,
        grid=(grid,),
        in_specs=[row_blk, w_blk, parts_blk_d],
        out_specs=[row_blk, col_blk],
        out_shape=[jax.ShapeDtypeStruct((n_pad, d), jnp.float32),
                   jax.ShapeDtypeStruct((n_pad, 1), jnp.float32)],
    )(x_pad, W1, deg_parts)

    parts1 = agg(src3, dst3, y1, zs)

    y2 = pl.pallas_call(
        _mm2_body,
        grid=(grid,),
        in_specs=[parts_blk_d, row_blk, col_blk, b_blk, w_blk],
        out_specs=row_blk,
        out_shape=jax.ShapeDtypeStruct((n_pad, d), jnp.float32),
    )(parts1, y1, dinv, b1r, W2)

    parts2 = agg(src3, dst3, y2, zs)

    out = pl.pallas_call(
        _fin_body,
        grid=(grid,),
        in_specs=[parts_blk_d, row_blk, col_blk, b_blk],
        out_specs=row_blk,
        out_shape=jax.ShapeDtypeStruct((n_pad, d), jnp.float32),
    )(parts2, y2, dinv, b2r)

    return out[:n]

# --- scband reference (transcript-rebuilt; emitter-appended) ---
"""Pipeline reference for scband-gcnencoder-7198365188144 (READ-ONLY COPY).

The authoritative reference and input builder live on the scoring server;
editing this copy changes nothing except your own understanding.
"""

import jax, jax.numpy as jnp
import numpy as np

N_NODES = 10000
N_EDGES = 320000
IN_CH = 128
HID_CH = 128
EMB_DIM = 128


def setup_inputs(seed: int = 0) -> dict:
    key = jax.random.key(seed)
    k1, k2, k3, k4, k5, k6 = jax.random.split(key, 6)
    x = jax.random.normal(k1, (N_NODES, IN_CH), dtype=jnp.float32)
    edge_index = jax.random.randint(k2, (2, N_EDGES), 0, N_NODES, dtype=jnp.int64)
    s1 = float(np.sqrt(2.0 / (IN_CH + HID_CH)))
    s2 = float(np.sqrt(2.0 / (HID_CH + EMB_DIM)))
    W1 = jax.random.normal(k3, (IN_CH, HID_CH), dtype=jnp.float32) * s1
    b1 = jnp.zeros((HID_CH,), dtype=jnp.float32)
    W2 = jax.random.normal(k4, (HID_CH, EMB_DIM), dtype=jnp.float32) * s2
    b2 = jnp.zeros((EMB_DIM,), dtype=jnp.float32)
    return {"x": x, "edge_index": edge_index, "W1": W1, "b1": b1, "W2": W2, "b2": b2}


def _gcn_conv(x, edge_index, W, b):
    # Faithful to PyG GCNConv: linear -> symmetric-normalized aggregation (with self-loops) -> bias
    N = x.shape[0]
    loop = jnp.arange(N, dtype=edge_index.dtype)
    src = jnp.concatenate([edge_index[0], loop])
    dst = jnp.concatenate([edge_index[1], loop])
    h = x @ W
    deg = jnp.zeros((N,), dtype=h.dtype).at[dst].add(1.0)
    deg_inv_sqrt = jnp.where(deg > 0, deg ** -0.5, 0.0)
    norm = deg_inv_sqrt[src] * deg_inv_sqrt[dst]
    msg = h[src] * norm[:, None]
    out = jnp.zeros_like(h).at[dst].add(msg)
    return out + b


def reference(x, edge_index, W1, b1, W2, b2):
    h = jax.nn.relu(_gcn_conv(x, edge_index, W1, b1))
    # dropout p=0.0 -> identity
    out = _gcn_conv(h, edge_index, W2, b2)
    return out

if __name__ == "__main__":
    import jax
    _d = setup_inputs()
    print(jax.jit(kernel)(*tuple(_d.values())))

</pallas_src>

<mosaic_0001>
#map = affine_map<(d0, d1) -> (0, 0, 0)>
#map1 = affine_map<(d0, d1) -> (0, 0)>
module attributes {stable_mosaic.version = 14 : i64} {
  func.func @_deg_body(%arg0: i32, %arg1: i32, %arg2: memref<32x79x128xi32, #tpu.memory_space<hbm>>, %arg3: memref<10240x128xf32, #tpu.memory_space<hbm>>, %arg4: memref<128x128xf32, #tpu.memory_space<hbm>>, %arg5: memref<2x10240x128xf32, #tpu.memory_space<hbm>>, %arg6: memref<79x128xi32, #tpu.memory_space<vmem>>, %arg7: memref<128x128xf32, #tpu.memory_space<vmem>>, %arg8: memref<10240x128xf32, #tpu.memory_space<vmem_shared>>) attributes {dimension_semantics = [#tpu.dimension_semantics<core_parallel>, #tpu.dimension_semantics<subcore_parallel>], iteration_bounds = array<i64: 2, 16>, scalar_prefetch = 0 : i64, scratch_operands = 3 : i64, tpu.core_type = #tpu.core_type<sc_vector_subcore>, window_params = [{transform_indices = #map}, {transform_indices = #map1}, {transform_indices = #map1}, {transform_indices = #map}]} {
    %mul3A = arith.constant 16 : i32
    %mul3A_0 = arith.muli %arg0, %mul3A : i32
    %add3A = arith.addi %mul3A_0, %arg1 : i32
    %eq3A = arith.constant 0 : i32
    %eq3A_1 = arith.cmpi eq, %arg1, %eq3A : i32
    %convert_element_type3A = arith.extui %eq3A_1 : i1 to i32
    %cond3A = arith.constant 0 : i32
    %cond3A_2 = arith.cmpi ne, %convert_element_type3A, %cond3A : i32
    scf.if %cond3A_2 {
      "tpu.region"() ({
        %run_scoped3A = tpu.sem_alloc : memref<!tpu.dma_semaphore, #tpu.memory_space<semaphore_mem>>
        tpu.enqueue_dma source(%arg3 : memref<10240x128xf32, #tpu.memory_space<hbm>>) target(%arg8 : memref<10240x128xf32, #tpu.memory_space<vmem_shared>>) target_semaphore(%run_scoped3A : memref<!tpu.dma_semaphore, #tpu.memory_space<semaphore_mem>>)
        tpu.wait_dma2 semaphore(%run_scoped3A : memref<!tpu.dma_semaphore, #tpu.memory_space<semaphore_mem>>) src(%arg3 : memref<10240x128xf32, #tpu.memory_space<hbm>>) dst(%arg8 : memref<10240x128xf32, #tpu.memory_space<vmem_shared>>)
        tpu.yield
      }) : () -> ()
    } else {
    }
    "tpu.region"() ({
      %run_scoped3A = tpu.sem_alloc : memref<!tpu.dma_semaphore, #tpu.memory_space<semaphore_mem>>
      %dma_start3A = arith.constant 0 : i32
      %dma_start3A_14 = arith.constant 0 : i32
      %dma_start3A_15 = tpu.memref_slice %arg2[%add3A, %dma_start3A, %dma_start3A_14] : memref<32x79x128xi32, #tpu.memory_space<hbm>> -> memref<1x79x128xi32, #tpu.memory_space<hbm>>
      %dma_start3A_16 = tpu.memref_squeeze %dma_start3A_15 : memref<1x79x128xi32, #tpu.memory_space<hbm>> -> memref<79x128xi32, #tpu.memory_space<hbm>>
      %dma_start3A_17 = arith.constant 0 : i32
      %dma_start3A_18 = arith.constant 0 : i32
      %dma_start3A_19 = tpu.memref_slice %arg2[%add3A, %dma_start3A_17, %dma_start3A_18] : memref<32x79x128xi32, #tpu.memory_space<hbm>> -> memref<1x79x128xi32, #tpu.memory_space<hbm>>
      %dma_start3A_20 = tpu.memref_squeeze %dma_start3A_19 : memref<1x79x128xi32, #tpu.memory_space<hbm>> -> memref<79x128xi32, #tpu.memory_space<hbm>>
      tpu.enqueue_dma source(%dma_start3A_20 : memref<79x128xi32, #tpu.memory_space<hbm>>) target(%arg6 : memref<79x128xi32, #tpu.memory_space<vmem>>) target_semaphore(%run_scoped3A : memref<!tpu.dma_semaphore, #tpu.memory_space<semaphore_mem>>)
      %dma_wait3A = arith.constant 0 : i32
      %dma_wait3A_21 = arith.constant 0 : i32
      %dma_wait3A_22 = tpu.memref_slice %arg2[%add3A, %dma_wait3A, %dma_wait3A_21] : memref<32x79x128xi32, #tpu.memory_space<hbm>> -> memref<1x79x128xi32, #tpu.memory_space<hbm>>
      %dma_wait3A_23 = tpu.memref_squeeze %dma_wait3A_22 : memref<1x79x128xi32, #tpu.memory_space<hbm>> -> memref<79x128xi32, #tpu.memory_space<hbm>>
      %dma_wait3A_24 = arith.constant 0 : i32
      %dma_wait3A_25 = arith.constant 0 : i32
      %dma_wait3A_26 = tpu.memref_slice %arg2[%add3A, %dma_wait3A_24, %dma_wait3A_25] : memref<32x79x128xi32, #tpu.memory_space<hbm>> -> memref<1x79x128xi32, #tpu.memory_space<hbm>>
      %dma_wait3A_27 = tpu.memref_squeeze %dma_wait3A_26 : memref<1x79x128xi32, #tpu.memory_space<hbm>> -> memref<79x128xi32, #tpu.memory_space<hbm>>
      tpu.wait_dma2 semaphore(%run_scoped3A : memref<!tpu.dma_semaphore, #tpu.memory_space<semaphore_mem>>) src(%dma_wait3A_27 : memref<79x128xi32, #tpu.memory_space<hbm>>) dst(%arg6 : memref<79x128xi32, #tpu.memory_space<vmem>>)
      tpu.yield
    }) : () -> ()
    "tpu.region"() ({
      %run_scoped3A = tpu.sem_alloc : memref<!tpu.dma_semaphore, #tpu.memory_space<semaphore_mem>>
      tpu.enqueue_dma source(%arg4 : memref<128x128xf32, #tpu.memory_space<hbm>>) target(%arg7 : memref<128x128xf32, #tpu.memory_space<vmem>>) target_semaphore(%run_scoped3A : memref<!tpu.dma_semaphore, #tpu.memory_space<semaphore_mem>>)
      tpu.wait_dma2 semaphore(%run_scoped3A : memref<!tpu.dma_semaphore, #tpu.memory_space<semaphore_mem>>) src(%arg4 : memref<128x128xf32, #tpu.memory_space<hbm>>) dst(%arg7 : memref<128x128xf32, #tpu.memory_space<vmem>>)
      tpu.yield
    }) : () -> ()
    %barrier3A = arith.constant 0 : index
    tpu.barrier barrier_id(%barrier3A)
    %scan3A = arith.constant 0 : i32
    %scan3A_3 = arith.constant 0 : i32
    %scan3A_4 = arith.constant 79 : i32
    %scan3A_5 = arith.addi %scan3A_3, %scan3A_4 : i32
    %scan3A_6 = arith.constant 1 : i32
    scf.for %scan3A_14 = %scan3A_3 to %scan3A_5 step %scan3A_6  : i32 {
      "tpu.region"() ({
        %run_scoped3A = tpu.sem_alloc : memref<!tpu.dma_semaphore, #tpu.memory_space<semaphore_mem>>
        %dma_start3A = arith.constant 0 : i32
        %dma_start3A_15 = tpu.memref_slice %arg6[%scan3A_14, %dma_start3A] : memref<79x128xi32, #tpu.memory_space<vmem>> -> memref<1x128xi32, #tpu.memory_space<vmem>>
        %dma_start3A_16 = tpu.memref_squeeze %dma_start3A_15 : memref<1x128xi32, #tpu.memory_space<vmem>> -> memref<128xi32, #tpu.memory_space<vmem>>
        %dma_start3A_17 = arith.constant 0 : i32
        %dma_start3A_18 = arith.constant 0 : i32
        %dma_start3A_19 = tpu.memref_slice %arg8[%dma_start3A_17, %dma_start3A_18] : memref<10240x128xf32, #tpu.memory_space<vmem_shared>> -> memref<10240x128xf32, #tpu.memory_space<vmem_shared>>
        tpu.enqueue_indirect_dma source(%arg7 : memref<128x128xf32, #tpu.memory_space<vmem>>) target(%dma_start3A_19 : memref<10240x128xf32, #tpu.memory_space<vmem_shared>>) offsets(%dma_start3A_16 : memref<128xi32, #tpu.memory_space<vmem>>) semaphore(%run_scoped3A : memref<!tpu.dma_semaphore, #tpu.memory_space<semaphore_mem>>) {add = true}
        %dma_wait3A = arith.constant 0 : i32
        %dma_wait3A_20 = tpu.memref_slice %arg6[%scan3A_14, %dma_wait3A] : memref<79x128xi32, #tpu.memory_space<vmem>> -> memref<1x128xi32, #tpu.memory_space<vmem>>
        %dma_wait3A_21 = tpu.memref_squeeze %dma_wait3A_20 : memref<1x128xi32, #tpu.memory_space<vmem>> -> memref<128xi32, #tpu.memory_space<vmem>>
        %dma_wait3A_22 = arith.constant 0 : i32
        %dma_wait3A_23 = arith.constant 0 : i32
        %dma_wait3A_24 = tpu.memref_slice %arg8[%dma_wait3A_22, %dma_wait3A_23] : memref<10240x128xf32, #tpu.memory_space<vmem_shared>> -> memref<10240x128xf32, #tpu.memory_space<vmem_shared>>
        tpu.wait_indirect_dma semaphore(%run_scoped3A : memref<!tpu.dma_semaphore, #tpu.memory_space<semaphore_mem>>) src(%arg7 : memref<128x128xf32, #tpu.memory_space<vmem>>) dst(%dma_wait3A_24 : memref<10240x128xf32, #tpu.memory_space<vmem_shared>>)
        tpu.yield
      }) : () -> ()
    }
    %scan3A_7 = arith.constant 79 : i32
    %barrier3A_8 = arith.constant 0 : index
    tpu.barrier barrier_id(%barrier3A_8)
    %eq3A_9 = arith.constant 0 : i32
    %eq3A_10 = arith.cmpi eq, %arg1, %eq3A_9 : i32
    %convert_element_type3A_11 = arith.extui %eq3A_10 : i1 to i32
    %cond3A_12 = arith.constant 0 : i32
    %cond3A_13 = arith.cmpi ne, %convert_element_type3A_11, %cond3A_12 : i32
    scf.if %cond3A_13 {
      "tpu.region"() ({
        %run_scoped3A = tpu.sem_alloc : memref<!tpu.dma_semaphore, #tpu.memory_space<semaphore_mem>>
        %dma_start3A = arith.constant 0 : i32
        %dma_start3A_14 = arith.constant 0 : i32
        %dma_start3A_15 = tpu.memref_slice %arg5[%arg0, %dma_start3A, %dma_start3A_14] : memref<2x10240x128xf32, #tpu.memory_space<hbm>> -> memref<1x10240x128xf32, #tpu.memory_space<hbm>>
        %dma_start3A_16 = tpu.memref_squeeze %dma_start3A_15 : memref<1x10240x128xf32, #tpu.memory_space<hbm>> -> memref<10240x128xf32, #tpu.memory_space<hbm>>
        tpu.enqueue_dma source(%arg8 : memref<10240x128xf32, #tpu.memory_space<vmem_shared>>) target(%dma_start3A_16 : memref<10240x128xf32, #tpu.memory_space<hbm>>) target_semaphore(%run_scoped3A : memref<!tpu.dma_semaphore, #tpu.memory_space<semaphore_mem>>)
        %dma_wait3A = arith.constant 0 : i32
        %dma_wait3A_17 = arith.constant 0 : i32
        %dma_wait3A_18 = tpu.memref_slice %arg5[%arg0, %dma_wait3A, %dma_wait3A_17] : memref<2x10240x128xf32, #tpu.memory_space<hbm>> -> memref<1x10240x128xf32, #tpu.memory_space<hbm>>
        %dma_wait3A_19 = tpu.memref_squeeze %dma_wait3A_18 : memref<1x10240x128xf32, #tpu.memory_space<hbm>> -> memref<10240x128xf32, #tpu.memory_space<hbm>>
        tpu.wait_dma2 semaphore(%run_scoped3A : memref<!tpu.dma_semaphore, #tpu.memory_space<semaphore_mem>>) src(%arg8 : memref<10240x128xf32, #tpu.memory_space<vmem_shared>>) dst(%dma_wait3A_19 : memref<10240x128xf32, #tpu.memory_space<hbm>>)
        tpu.yield
      }) : () -> ()
    } else {
    }
    return
  }
}

#map = affine_map<(d0, d1) -> (0, 0, 0)>
#map1 = affine_map<(d0, d1) -> (0, 0)>
module attributes {stable_mosaic.version = 14 : i64} {
  func.func @_agg_body(%arg0: i32, %arg1: i32, %arg2: memref<32x79x128xi32, #tpu.memory_space<hbm>>, %arg3: memref<32x79x128xi32, #tpu.memory_space<hbm>>, %arg4: memref<10240x128xf32, #tpu.memory_space<hbm>>, %arg5: memref<10240x128xf32, #tpu.memory_space<hbm>>, %arg6: memref<2x10240x128xf32, #tpu.memory_space<hbm>>, %arg7: memref<79x128xi32, #tpu.memory_space<vmem>>, %arg8: memref<79x128xi32, #tpu.memory_space<vmem>>, %arg9: memref<128x128xf32, #tpu.memory_space<vmem>>, %arg10: memref<10240x128xf32, #tpu.memory_space<vmem_shared>>, %arg11: memref<!tpu.dma_semaphore, #tpu.memory_space<semaphore_mem>>) attributes {dimension_semantics = [#tpu.dimension_semantics<core_parallel>, #tpu.dimension_semantics<subcore_parallel>], iteration_bounds = array<i64: 2, 16>, scalar_prefetch = 0 : i64, scratch_operands = 5 : i64, tpu.core_type = #tpu.core_type<sc_vector_subcore>, window_params = [{transform_indices = #map}, {transform_indices = #map}, {transform_indices = #map1}, {transform_indices = #map1}, {transform_indices = #map}]} {
    %mul3A = arith.constant 16 : i32
    %mul3A_0 = arith.muli %arg0, %mul3A : i32
    %add3A = arith.addi %mul3A_0, %arg1 : i32
    %eq3A = arith.constant 0 : i32
    %eq3A_1 = arith.cmpi eq, %arg1, %eq3A : i32
    %convert_element_type3A = arith.extui %eq3A_1 : i1 to i32
    %cond3A = arith.constant 0 : i32
    %cond3A_2 = arith.cmpi ne, %convert_element_type3A, %cond3A : i32
    scf.if %cond3A_2 {
      "tpu.region"() ({
        %run_scoped3A = tpu.sem_alloc : memref<!tpu.dma_semaphore, #tpu.memory_space<semaphore_mem>>
        tpu.enqueue_dma source(%arg5 : memref<10240x128xf32, #tpu.memory_space<hbm>>) target(%arg10 : memref<10240x128xf32, #tpu.memory_space<vmem_shared>>) target_semaphore(%run_scoped3A : memref<!tpu.dma_semaphore, #tpu.memory_space<semaphore_mem>>)
        tpu.wait_dma2 semaphore(%run_scoped3A : memref<!tpu.dma_semaphore, #tpu.memory_space<semaphore_mem>>) src(%arg5 : memref<10240x128xf32, #tpu.memory_space<hbm>>) dst(%arg10 : memref<10240x128xf32, #tpu.memory_space<vmem_shared>>)
        tpu.yield
      }) : () -> ()
    } else {
    }
    "tpu.region"() ({
      %run_scoped3A = tpu.sem_alloc : memref<!tpu.dma_semaphore, #tpu.memory_space<semaphore_mem>>
      %dma_start3A = arith.constant 0 : i32
      %dma_start3A_14 = arith.constant 0 : i32
      %dma_start3A_15 = tpu.memref_slice %arg2[%add3A, %dma_start3A, %dma_start3A_14] : memref<32x79x128xi32, #tpu.memory_space<hbm>> -> memref<1x79x128xi32, #tpu.memory_space<hbm>>
      %dma_start3A_16 = tpu.memref_squeeze %dma_start3A_15 : memref<1x79x128xi32, #tpu.memory_space<hbm>> -> memref<79x128xi32, #tpu.memory_space<hbm>>
      %dma_start3A_17 = arith.constant 0 : i32
      %dma_start3A_18 = arith.constant 0 : i32
      %dma_start3A_19 = tpu.memref_slice %arg2[%add3A, %dma_start3A_17, %dma_start3A_18] : memref<32x79x128xi32, #tpu.memory_space<hbm>> -> memref<1x79x128xi32, #tpu.memory_space<hbm>>
      %dma_start3A_20 = tpu.memref_squeeze %dma_start3A_19 : memref<1x79x128xi32, #tpu.memory_space<hbm>> -> memref<79x128xi32, #tpu.memory_space<hbm>>
      tpu.enqueue_dma source(%dma_start3A_20 : memref<79x128xi32, #tpu.memory_space<hbm>>) target(%arg7 : memref<79x128xi32, #tpu.memory_space<vmem>>) target_semaphore(%run_scoped3A : memref<!tpu.dma_semaphore, #tpu.memory_space<semaphore_mem>>)
      %dma_wait3A = arith.constant 0 : i32
      %dma_wait3A_21 = arith.constant 0 : i32
      %dma_wait3A_22 = tpu.memref_slice %arg2[%add3A, %dma_wait3A, %dma_wait3A_21] : memref<32x79x128xi32, #tpu.memory_space<hbm>> -> memref<1x79x128xi32, #tpu.memory_space<hbm>>
      %dma_wait3A_23 = tpu.memref_squeeze %dma_wait3A_22 : memref<1x79x128xi32, #tpu.memory_space<hbm>> -> memref<79x128xi32, #tpu.memory_space<hbm>>
      %dma_wait3A_24 = arith.constant 0 : i32
      %dma_wait3A_25 = arith.constant 0 : i32
      %dma_wait3A_26 = tpu.memref_slice %arg2[%add3A, %dma_wait3A_24, %dma_wait3A_25] : memref<32x79x128xi32, #tpu.memory_space<hbm>> -> memref<1x79x128xi32, #tpu.memory_space<hbm>>
      %dma_wait3A_27 = tpu.memref_squeeze %dma_wait3A_26 : memref<1x79x128xi32, #tpu.memory_space<hbm>> -> memref<79x128xi32, #tpu.memory_space<hbm>>
      tpu.wait_dma2 semaphore(%run_scoped3A : memref<!tpu.dma_semaphore, #tpu.memory_space<semaphore_mem>>) src(%dma_wait3A_27 : memref<79x128xi32, #tpu.memory_space<hbm>>) dst(%arg7 : memref<79x128xi32, #tpu.memory_space<vmem>>)
      tpu.yield
    }) : () -> ()
    "tpu.region"() ({
      %run_scoped3A = tpu.sem_alloc : memref<!tpu.dma_semaphore, #tpu.memory_space<semaphore_mem>>
      %dma_start3A = arith.constant 0 : i32
      %dma_start3A_14 = arith.constant 0 : i32
      %dma_start3A_15 = tpu.memref_slice %arg3[%add3A, %dma_start3A, %dma_start3A_14] : memref<32x79x128xi32, #tpu.memory_space<hbm>> -> memref<1x79x128xi32, #tpu.memory_space<hbm>>
      %dma_start3A_16 = tpu.memref_squeeze %dma_start3A_15 : memref<1x79x128xi32, #tpu.memory_space<hbm>> -> memref<79x128xi32, #tpu.memory_space<hbm>>
      %dma_start3A_17 = arith.constant 0 : i32
      %dma_start3A_18 = arith.constant 0 : i32
      %dma_start3A_19 = tpu.memref_slice %arg3[%add3A, %dma_start3A_17, %dma_start3A_18] : memref<32x79x128xi32, #tpu.memory_space<hbm>> -> memref<1x79x128xi32, #tpu.memory_space<hbm>>
      %dma_start3A_20 = tpu.memref_squeeze %dma_start3A_19 : memref<1x79x128xi32, #tpu.memory_space<hbm>> -> memref<79x128xi32, #tpu.memory_space<hbm>>
      tpu.enqueue_dma source(%dma_start3A_20 : memref<79x128xi32, #tpu.memory_space<hbm>>) target(%arg8 : memref<79x128xi32, #tpu.memory_space<vmem>>) target_semaphore(%run_scoped3A : memref<!tpu.dma_semaphore, #tpu.memory_space<semaphore_mem>>)
      %dma_wait3A = arith.constant 0 : i32
      %dma_wait3A_21 = arith.constant 0 : i32
      %dma_wait3A_22 = tpu.memref_slice %arg3[%add3A, %dma_wait3A, %dma_wait3A_21] : memref<32x79x128xi32, #tpu.memory_space<hbm>> -> memref<1x79x128xi32, #tpu.memory_space<hbm>>
      %dma_wait3A_23 = tpu.memref_squeeze %dma_wait3A_22 : memref<1x79x128xi32, #tpu.memory_space<hbm>> -> memref<79x128xi32, #tpu.memory_space<hbm>>
      %dma_wait3A_24 = arith.constant 0 : i32
      %dma_wait3A_25 = arith.constant 0 : i32
      %dma_wait3A_26 = tpu.memref_slice %arg3[%add3A, %dma_wait3A_24, %dma_wait3A_25] : memref<32x79x128xi32, #tpu.memory_space<hbm>> -> memref<1x79x128xi32, #tpu.memory_space<hbm>>
      %dma_wait3A_27 = tpu.memref_squeeze %dma_wait3A_26 : memref<1x79x128xi32, #tpu.memory_space<hbm>> -> memref<79x128xi32, #tpu.memory_space<hbm>>
      tpu.wait_dma2 semaphore(%run_scoped3A : memref<!tpu.dma_semaphore, #tpu.memory_space<semaphore_mem>>) src(%dma_wait3A_27 : memref<79x128xi32, #tpu.memory_space<hbm>>) dst(%arg8 : memref<79x128xi32, #tpu.memory_space<vmem>>)
      tpu.yield
    }) : () -> ()
    %barrier3A = arith.constant 0 : index
    tpu.barrier barrier_id(%barrier3A)
    %scan3A = arith.constant 0 : i32
    %scan3A_3 = arith.constant 0 : i32
    %scan3A_4 = arith.constant 79 : i32
    %scan3A_5 = arith.addi %scan3A_3, %scan3A_4 : i32
    %scan3A_6 = arith.constant 1 : i32
    scf.for %scan3A_14 = %scan3A_3 to %scan3A_5 step %scan3A_6  : i32 {
      %dma_start3A = arith.constant 0 : i32
      %dma_start3A_15 = tpu.memref_slice %arg7[%scan3A_14, %dma_start3A] : memref<79x128xi32, #tpu.memory_space<vmem>> -> memref<1x128xi32, #tpu.memory_space<vmem>>
      %dma_start3A_16 = tpu.memref_squeeze %dma_start3A_15 : memref<1x128xi32, #tpu.memory_space<vmem>> -> memref<128xi32, #tpu.memory_space<vmem>>
      %dma_start3A_17 = arith.constant 0 : i32
      %dma_start3A_18 = arith.constant 0 : i32
      %dma_start3A_19 = tpu.memref_slice %arg4[%dma_start3A_17, %dma_start3A_18] : memref<10240x128xf32, #tpu.memory_space<hbm>> -> memref<10240x128xf32, #tpu.memory_space<hbm>>
      tpu.enqueue_indirect_dma source(%dma_start3A_19 : memref<10240x128xf32, #tpu.memory_space<hbm>>) target(%arg9 : memref<128x128xf32, #tpu.memory_space<vmem>>) offsets(%dma_start3A_16 : memref<128xi32, #tpu.memory_space<vmem>>) semaphore(%arg11 : memref<!tpu.dma_semaphore, #tpu.memory_space<semaphore_mem>>)
      %dma_wait3A = arith.constant 0 : i32
      %dma_wait3A_20 = tpu.memref_slice %arg7[%scan3A_14, %dma_wait3A] : memref<79x128xi32, #tpu.memory_space<vmem>> -> memref<1x128xi32, #tpu.memory_space<vmem>>
      %dma_wait3A_21 = tpu.memref_squeeze %dma_wait3A_20 : memref<1x128xi32, #tpu.memory_space<vmem>> -> memref<128xi32, #tpu.memory_space<vmem>>
      %dma_wait3A_22 = arith.constant 0 : i32
      %dma_wait3A_23 = arith.constant 0 : i32
      %dma_wait3A_24 = tpu.memref_slice %arg4[%dma_wait3A_22, %dma_wait3A_23] : memref<10240x128xf32, #tpu.memory_space<hbm>> -> memref<10240x128xf32, #tpu.memory_space<hbm>>
      tpu.wait_indirect_dma semaphore(%arg11 : memref<!tpu.dma_semaphore, #tpu.memory_space<semaphore_mem>>) src(%dma_wait3A_24 : memref<10240x128xf32, #tpu.memory_space<hbm>>) dst(%arg9 : memref<128x128xf32, #tpu.memory_space<vmem>>)
      "tpu.region"() ({
        %run_scoped3A = tpu.sem_alloc : memref<!tpu.dma_semaphore, #tpu.memory_space<semaphore_mem>>
        %dma_start3A_25 = arith.constant 0 : i32
        %dma_start3A_26 = tpu.memref_slice %arg8[%scan3A_14, %dma_start3A_25] : memref<79x128xi32, #tpu.memory_space<vmem>> -> memref<1x128xi32, #tpu.memory_space<vmem>>
        %dma_start3A_27 = tpu.memref_squeeze %dma_start3A_26 : memref<1x128xi32, #tpu.memory_space<vmem>> -> memref<128xi32, #tpu.memory_space<vmem>>
        %dma_start3A_28 = arith.constant 0 : i32
        %dma_start3A_29 = arith.constant 0 : i32
        %dma_start3A_30 = tpu.memref_slice %arg10[%dma_start3A_28, %dma_start3A_29] : memref<10240x128xf32, #tpu.memory_space<vmem_shared>> -> memref<10240x128xf32, #tpu.memory_space<vmem_shared>>
        tpu.enqueue_indirect_dma source(%arg9 : memref<128x128xf32, #tpu.memory_space<vmem>>) target(%dma_start3A_30 : memref<10240x128xf32, #tpu.memory_space<vmem_shared>>) offsets(%dma_start3A_27 : memref<128xi32, #tpu.memory_space<vmem>>) semaphore(%run_scoped3A : memref<!tpu.dma_semaphore, #tpu.memory_space<semaphore_mem>>) {add = true}
        %dma_wait3A_31 = arith.constant 0 : i32
        %dma_wait3A_32 = tpu.memref_slice %arg8[%scan3A_14, %dma_wait3A_31] : memref<79x128xi32, #tpu.memory_space<vmem>> -> memref<1x128xi32, #tpu.memory_space<vmem>>
        %dma_wait3A_33 = tpu.memref_squeeze %dma_wait3A_32 : memref<1x128xi32, #tpu.memory_space<vmem>> -> memref<128xi32, #tpu.memory_space<vmem>>
        %dma_wait3A_34 = arith.constant 0 : i32
        %dma_wait3A_35 = arith.constant 0 : i32
        %dma_wait3A_36 = tpu.memref_slice %arg10[%dma_wait3A_34, %dma_wait3A_35] : memref<10240x128xf32, #tpu.memory_space<vmem_shared>> -> memref<10240x128xf32, #tpu.memory_space<vmem_shared>>
        tpu.wait_indirect_dma semaphore(%run_scoped3A : memref<!tpu.dma_semaphore, #tpu.memory_space<semaphore_mem>>) src(%arg9 : memref<128x128xf32, #tpu.memory_space<vmem>>) dst(%dma_wait3A_36 : memref<10240x128xf32, #tpu.memory_space<vmem_shared>>)
        tpu.yield
      }) : () -> ()
    }
    %scan3A_7 = arith.constant 79 : i32
    %barrier3A_8 = arith.constant 0 : index
    tpu.barrier barrier_id(%barrier3A_8)
    %eq3A_9 = arith.constant 0 : i32
    %eq3A_10 = arith.cmpi eq, %arg1, %eq3A_9 : i32
    %convert_element_type3A_11 = arith.extui %eq3A_10 : i1 to i32
    %cond3A_12 = arith.constant 0 : i32
    %cond3A_13 = arith.cmpi ne, %convert_element_type3A_11, %cond3A_12 : i32
    scf.if %cond3A_13 {
      "tpu.region"() ({
        %run_scoped3A = tpu.sem_alloc : memref<!tpu.dma_semaphore, #tpu.memory_space<semaphore_mem>>
        %dma_start3A = arith.constant 0 : i32
        %dma_start3A_14 = arith.constant 0 : i32
        %dma_start3A_15 = tpu.memref_slice %arg6[%arg0, %dma_start3A, %dma_start3A_14] : memref<2x10240x128xf32, #tpu.memory_space<hbm>> -> memref<1x10240x128xf32, #tpu.memory_space<hbm>>
        %dma_start3A_16 = tpu.memref_squeeze %dma_start3A_15 : memref<1x10240x128xf32, #tpu.memory_space<hbm>> -> memref<10240x128xf32, #tpu.memory_space<hbm>>
        tpu.enqueue_dma source(%arg10 : memref<10240x128xf32, #tpu.memory_space<vmem_shared>>) target(%dma_start3A_16 : memref<10240x128xf32, #tpu.memory_space<hbm>>) target_semaphore(%run_scoped3A : memref<!tpu.dma_semaphore, #tpu.memory_space<semaphore_mem>>)
        %dma_wait3A = arith.constant 0 : i32
        %dma_wait3A_17 = arith.constant 0 : i32
        %dma_wait3A_18 = tpu.memref_slice %arg6[%arg0, %dma_wait3A, %dma_wait3A_17] : memref<2x10240x128xf32, #tpu.memory_space<hbm>> -> memref<1x10240x128xf32, #tpu.memory_space<hbm>>
        %dma_wait3A_19 = tpu.memref_squeeze %dma_wait3A_18 : memref<1x10240x128xf32, #tpu.memory_space<hbm>> -> memref<10240x128xf32, #tpu.memory_space<hbm>>
        tpu.wait_dma2 semaphore(%run_scoped3A : memref<!tpu.dma_semaphore, #tpu.memory_space<semaphore_mem>>) src(%arg10 : memref<10240x128xf32, #tpu.memory_space<vmem_shared>>) dst(%dma_wait3A_19 : memref<10240x128xf32, #tpu.memory_space<hbm>>)
        tpu.yield
      }) : () -> ()
    } else {
    }
    return
  }
}

#map = affine_map<(d0, d1) -> (0, 0, 0)>
#map1 = affine_map<(d0, d1) -> (0, 0)>
module attributes {stable_mosaic.version = 14 : i64} {
  func.func @_agg_body(%arg0: i32, %arg1: i32, %arg2: memref<32x79x128xi32, #tpu.memory_space<hbm>>, %arg3: memref<32x79x128xi32, #tpu.memory_space<hbm>>, %arg4: memref<10240x128xf32, #tpu.memory_space<hbm>>, %arg5: memref<10240x128xf32, #tpu.memory_space<hbm>>, %arg6: memref<2x10240x128xf32, #tpu.memory_space<hbm>>, %arg7: memref<79x128xi32, #tpu.memory_space<vmem>>, %arg8: memref<79x128xi32, #tpu.memory_space<vmem>>, %arg9: memref<128x128xf32, #tpu.memory_space<vmem>>, %arg10: memref<10240x128xf32, #tpu.memory_space<vmem_shared>>, %arg11: memref<!tpu.dma_semaphore, #tpu.memory_space<semaphore_mem>>) attributes {dimension_semantics = [#tpu.dimension_semantics<core_parallel>, #tpu.dimension_semantics<subcore_parallel>], iteration_bounds = array<i64: 2, 16>, scalar_prefetch = 0 : i64, scratch_operands = 5 : i64, tpu.core_type = #tpu.core_type<sc_vector_subcore>, window_params = [{transform_indices = #map}, {transform_indices = #map}, {transform_indices = #map1}, {transform_indices = #map1}, {transform_indices = #map}]} {
    %mul3A = arith.constant 16 : i32
    %mul3A_0 = arith.muli %arg0, %mul3A : i32
    %add3A = arith.addi %mul3A_0, %arg1 : i32
    %eq3A = arith.constant 0 : i32
    %eq3A_1 = arith.cmpi eq, %arg1, %eq3A : i32
    %convert_element_type3A = arith.extui %eq3A_1 : i1 to i32
    %cond3A = arith.constant 0 : i32
    %cond3A_2 = arith.cmpi ne, %convert_element_type3A, %cond3A : i32
    scf.if %cond3A_2 {
      "tpu.region"() ({
        %run_scoped3A = tpu.sem_alloc : memref<!tpu.dma_semaphore, #tpu.memory_space<semaphore_mem>>
        tpu.enqueue_dma source(%arg5 : memref<10240x128xf32, #tpu.memory_space<hbm>>) target(%arg10 : memref<10240x128xf32, #tpu.memory_space<vmem_shared>>) target_semaphore(%run_scoped3A : memref<!tpu.dma_semaphore, #tpu.memory_space<semaphore_mem>>)
        tpu.wait_dma2 semaphore(%run_scoped3A : memref<!tpu.dma_semaphore, #tpu.memory_space<semaphore_mem>>) src(%arg5 : memref<10240x128xf32, #tpu.memory_space<hbm>>) dst(%arg10 : memref<10240x128xf32, #tpu.memory_space<vmem_shared>>)
        tpu.yield
      }) : () -> ()
    } else {
    }
    "tpu.region"() ({
      %run_scoped3A = tpu.sem_alloc : memref<!tpu.dma_semaphore, #tpu.memory_space<semaphore_mem>>
      %dma_start3A = arith.constant 0 : i32
      %dma_start3A_14 = arith.constant 0 : i32
      %dma_start3A_15 = tpu.memref_slice %arg2[%add3A, %dma_start3A, %dma_start3A_14] : memref<32x79x128xi32, #tpu.memory_space<hbm>> -> memref<1x79x128xi32, #tpu.memory_space<hbm>>
      %dma_start3A_16 = tpu.memref_squeeze %dma_start3A_15 : memref<1x79x128xi32, #tpu.memory_space<hbm>> -> memref<79x128xi32, #tpu.memory_space<hbm>>
      %dma_start3A_17 = arith.constant 0 : i32
      %dma_start3A_18 = arith.constant 0 : i32
      %dma_start3A_19 = tpu.memref_slice %arg2[%add3A, %dma_start3A_17, %dma_start3A_18] : memref<32x79x128xi32, #tpu.memory_space<hbm>> -> memref<1x79x128xi32, #tpu.memory_space<hbm>>
      %dma_start3A_20 = tpu.memref_squeeze %dma_start3A_19 : memref<1x79x128xi32, #tpu.memory_space<hbm>> -> memref<79x128xi32, #tpu.memory_space<hbm>>
      tpu.enqueue_dma source(%dma_start3A_20 : memref<79x128xi32, #tpu.memory_space<hbm>>) target(%arg7 : memref<79x128xi32, #tpu.memory_space<vmem>>) target_semaphore(%run_scoped3A : memref<!tpu.dma_semaphore, #tpu.memory_space<semaphore_mem>>)
      %dma_wait3A = arith.constant 0 : i32
      %dma_wait3A_21 = arith.constant 0 : i32
      %dma_wait3A_22 = tpu.memref_slice %arg2[%add3A, %dma_wait3A, %dma_wait3A_21] : memref<32x79x128xi32, #tpu.memory_space<hbm>> -> memref<1x79x128xi32, #tpu.memory_space<hbm>>
      %dma_wait3A_23 = tpu.memref_squeeze %dma_wait3A_22 : memref<1x79x128xi32, #tpu.memory_space<hbm>> -> memref<79x128xi32, #tpu.memory_space<hbm>>
      %dma_wait3A_24 = arith.constant 0 : i32
      %dma_wait3A_25 = arith.constant 0 : i32
      %dma_wait3A_26 = tpu.memref_slice %arg2[%add3A, %dma_wait3A_24, %dma_wait3A_25] : memref<32x79x128xi32, #tpu.memory_space<hbm>> -> memref<1x79x128xi32, #tpu.memory_space<hbm>>
      %dma_wait3A_27 = tpu.memref_squeeze %dma_wait3A_26 : memref<1x79x128xi32, #tpu.memory_space<hbm>> -> memref<79x128xi32, #tpu.memory_space<hbm>>
      tpu.wait_dma2 semaphore(%run_scoped3A : memref<!tpu.dma_semaphore, #tpu.memory_space<semaphore_mem>>) src(%dma_wait3A_27 : memref<79x128xi32, #tpu.memory_space<hbm>>) dst(%arg7 : memref<79x128xi32, #tpu.memory_space<vmem>>)
      tpu.yield
    }) : () -> ()
    "tpu.region"() ({
      %run_scoped3A = tpu.sem_alloc : memref<!tpu.dma_semaphore, #tpu.memory_space<semaphore_mem>>
      %dma_start3A = arith.constant 0 : i32
      %dma_start3A_14 = arith.constant 0 : i32
      %dma_start3A_15 = tpu.memref_slice %arg3[%add3A, %dma_start3A, %dma_start3A_14] : memref<32x79x128xi32, #tpu.memory_space<hbm>> -> memref<1x79x128xi32, #tpu.memory_space<hbm>>
      %dma_start3A_16 = tpu.memref_squeeze %dma_start3A_15 : memref<1x79x128xi32, #tpu.memory_space<hbm>> -> memref<79x128xi32, #tpu.memory_space<hbm>>
      %dma_start3A_17 = arith.constant 0 : i32
      %dma_start3A_18 = arith.constant 0 : i32
      %dma_start3A_19 = tpu.memref_slice %arg3[%add3A, %dma_start3A_17, %dma_start3A_18] : memref<32x79x128xi32, #tpu.memory_space<hbm>> -> memref<1x79x128xi32, #tpu.memory_space<hbm>>
      %dma_start3A_20 = tpu.memref_squeeze %dma_start3A_19 : memref<1x79x128xi32, #tpu.memory_space<hbm>> -> memref<79x128xi32, #tpu.memory_space<hbm>>
      tpu.enqueue_dma source(%dma_start3A_20 : memref<79x128xi32, #tpu.memory_space<hbm>>) target(%arg8 : memref<79x128xi32, #tpu.memory_space<vmem>>) target_semaphore(%run_scoped3A : memref<!tpu.dma_semaphore, #tpu.memory_space<semaphore_mem>>)
      %dma_wait3A = arith.constant 0 : i32
      %dma_wait3A_21 = arith.constant 0 : i32
      %dma_wait3A_22 = tpu.memref_slice %arg3[%add3A, %dma_wait3A, %dma_wait3A_21] : memref<32x79x128xi32, #tpu.memory_space<hbm>> -> memref<1x79x128xi32, #tpu.memory_space<hbm>>
      %dma_wait3A_23 = tpu.memref_squeeze %dma_wait3A_22 : memref<1x79x128xi32, #tpu.memory_space<hbm>> -> memref<79x128xi32, #tpu.memory_space<hbm>>
      %dma_wait3A_24 = arith.constant 0 : i32
      %dma_wait3A_25 = arith.constant 0 : i32
      %dma_wait3A_26 = tpu.memref_slice %arg3[%add3A, %dma_wait3A_24, %dma_wait3A_25] : memref<32x79x128xi32, #tpu.memory_space<hbm>> -> memref<1x79x128xi32, #tpu.memory_space<hbm>>
      %dma_wait3A_27 = tpu.memref_squeeze %dma_wait3A_26 : memref<1x79x128xi32, #tpu.memory_space<hbm>> -> memref<79x128xi32, #tpu.memory_space<hbm>>
      tpu.wait_dma2 semaphore(%run_scoped3A : memref<!tpu.dma_semaphore, #tpu.memory_space<semaphore_mem>>) src(%dma_wait3A_27 : memref<79x128xi32, #tpu.memory_space<hbm>>) dst(%arg8 : memref<79x128xi32, #tpu.memory_space<vmem>>)
      tpu.yield
    }) : () -> ()
    %barrier3A = arith.constant 0 : index
    tpu.barrier barrier_id(%barrier3A)
    %scan3A = arith.constant 0 : i32
    %scan3A_3 = arith.constant 0 : i32
    %scan3A_4 = arith.constant 79 : i32
    %scan3A_5 = arith.addi %scan3A_3, %scan3A_4 : i32
    %scan3A_6 = arith.constant 1 : i32
    scf.for %scan3A_14 = %scan3A_3 to %scan3A_5 step %scan3A_6  : i32 {
      %dma_start3A = arith.constant 0 : i32
      %dma_start3A_15 = tpu.memref_slice %arg7[%scan3A_14, %dma_start3A] : memref<79x128xi32, #tpu.memory_space<vmem>> -> memref<1x128xi32, #tpu.memory_space<vmem>>
      %dma_start3A_16 = tpu.memref_squeeze %dma_start3A_15 : memref<1x128xi32, #tpu.memory_space<vmem>> -> memref<128xi32, #tpu.memory_space<vmem>>
      %dma_start3A_17 = arith.constant 0 : i32
      %dma_start3A_18 = arith.constant 0 : i32
      %dma_start3A_19 = tpu.memref_slice %arg4[%dma_start3A_17, %dma_start3A_18] : memref<10240x128xf32, #tpu.memory_space<hbm>> -> memref<10240x128xf32, #tpu.memory_space<hbm>>
      tpu.enqueue_indirect_dma source(%dma_start3A_19 : memref<10240x128xf32, #tpu.memory_space<hbm>>) target(%arg9 : memref<128x128xf32, #tpu.memory_space<vmem>>) offsets(%dma_start3A_16 : memref<128xi32, #tpu.memory_space<vmem>>) semaphore(%arg11 : memref<!tpu.dma_semaphore, #tpu.memory_space<semaphore_mem>>)
      %dma_wait3A = arith.constant 0 : i32
      %dma_wait3A_20 = tpu.memref_slice %arg7[%scan3A_14, %dma_wait3A] : memref<79x128xi32, #tpu.memory_space<vmem>> -> memref<1x128xi32, #tpu.memory_space<vmem>>
      %dma_wait3A_21 = tpu.memref_squeeze %dma_wait3A_20 : memref<1x128xi32, #tpu.memory_space<vmem>> -> memref<128xi32, #tpu.memory_space<vmem>>
      %dma_wait3A_22 = arith.constant 0 : i32
      %dma_wait3A_23 = arith.constant 0 : i32
      %dma_wait3A_24 = tpu.memref_slice %arg4[%dma_wait3A_22, %dma_wait3A_23] : memref<10240x128xf32, #tpu.memory_space<hbm>> -> memref<10240x128xf32, #tpu.memory_space<hbm>>
      tpu.wait_indirect_dma semaphore(%arg11 : memref<!tpu.dma_semaphore, #tpu.memory_space<semaphore_mem>>) src(%dma_wait3A_24 : memref<10240x128xf32, #tpu.memory_space<hbm>>) dst(%arg9 : memref<128x128xf32, #tpu.memory_space<vmem>>)
      "tpu.region"() ({
        %run_scoped3A = tpu.sem_alloc : memref<!tpu.dma_semaphore, #tpu.memory_space<semaphore_mem>>
        %dma_start3A_25 = arith.constant 0 : i32
        %dma_start3A_26 = tpu.memref_slice %arg8[%scan3A_14, %dma_start3A_25] : memref<79x128xi32, #tpu.memory_space<vmem>> -> memref<1x128xi32, #tpu.memory_space<vmem>>
        %dma_start3A_27 = tpu.memref_squeeze %dma_start3A_26 : memref<1x128xi32, #tpu.memory_space<vmem>> -> memref<128xi32, #tpu.memory_space<vmem>>
        %dma_start3A_28 = arith.constant 0 : i32
        %dma_start3A_29 = arith.constant 0 : i32
        %dma_start3A_30 = tpu.memref_slice %arg10[%dma_start3A_28, %dma_start3A_29] : memref<10240x128xf32, #tpu.memory_space<vmem_shared>> -> memref<10240x128xf32, #tpu.memory_space<vmem_shared>>
        tpu.enqueue_indirect_dma source(%arg9 : memref<128x128xf32, #tpu.memory_space<vmem>>) target(%dma_start3A_30 : memref<10240x128xf32, #tpu.memory_space<vmem_shared>>) offsets(%dma_start3A_27 : memref<128xi32, #tpu.memory_space<vmem>>) semaphore(%run_scoped3A : memref<!tpu.dma_semaphore, #tpu.memory_space<semaphore_mem>>) {add = true}
        %dma_wait3A_31 = arith.constant 0 : i32
        %dma_wait3A_32 = tpu.memref_slice %arg8[%scan3A_14, %dma_wait3A_31] : memref<79x128xi32, #tpu.memory_space<vmem>> -> memref<1x128xi32, #tpu.memory_space<vmem>>
        %dma_wait3A_33 = tpu.memref_squeeze %dma_wait3A_32 : memref<1x128xi32, #tpu.memory_space<vmem>> -> memref<128xi32, #tpu.memory_space<vmem>>
        %dma_wait3A_34 = arith.constant 0 : i32
        %dma_wait3A_35 = arith.constant 0 : i32
        %dma_wait3A_36 = tpu.memref_slice %arg10[%dma_wait3A_34, %dma_wait3A_35] : memref<10240x128xf32, #tpu.memory_space<vmem_shared>> -> memref<10240x128xf32, #tpu.memory_space<vmem_shared>>
        tpu.wait_indirect_dma semaphore(%run_scoped3A : memref<!tpu.dma_semaphore, #tpu.memory_space<semaphore_mem>>) src(%arg9 : memref<128x128xf32, #tpu.memory_space<vmem>>) dst(%dma_wait3A_36 : memref<10240x128xf32, #tpu.memory_space<vmem_shared>>)
        tpu.yield
      }) : () -> ()
    }
    %scan3A_7 = arith.constant 79 : i32
    %barrier3A_8 = arith.constant 0 : index
    tpu.barrier barrier_id(%barrier3A_8)
    %eq3A_9 = arith.constant 0 : i32
    %eq3A_10 = arith.cmpi eq, %arg1, %eq3A_9 : i32
    %convert_element_type3A_11 = arith.extui %eq3A_10 : i1 to i32
    %cond3A_12 = arith.constant 0 : i32
    %cond3A_13 = arith.cmpi ne, %convert_element_type3A_11, %cond3A_12 : i32
    scf.if %cond3A_13 {
      "tpu.region"() ({
        %run_scoped3A = tpu.sem_alloc : memref<!tpu.dma_semaphore, #tpu.memory_space<semaphore_mem>>
        %dma_start3A = arith.constant 0 : i32
        %dma_start3A_14 = arith.constant 0 : i32
        %dma_start3A_15 = tpu.memref_slice %arg6[%arg0, %dma_start3A, %dma_start3A_14] : memref<2x10240x128xf32, #tpu.memory_space<hbm>> -> memref<1x10240x128xf32, #tpu.memory_space<hbm>>
        %dma_start3A_16 = tpu.memref_squeeze %dma_start3A_15 : memref<1x10240x128xf32, #tpu.memory_space<hbm>> -> memref<10240x128xf32, #tpu.memory_space<hbm>>
        tpu.enqueue_dma source(%arg10 : memref<10240x128xf32, #tpu.memory_space<vmem_shared>>) target(%dma_start3A_16 : memref<10240x128xf32, #tpu.memory_space<hbm>>) target_semaphore(%run_scoped3A : memref<!tpu.dma_semaphore, #tpu.memory_space<semaphore_mem>>)
        %dma_wait3A = arith.constant 0 : i32
        %dma_wait3A_17 = arith.constant 0 : i32
        %dma_wait3A_18 = tpu.memref_slice %arg6[%arg0, %dma_wait3A, %dma_wait3A_17] : memref<2x10240x128xf32, #tpu.memory_space<hbm>> -> memref<1x10240x128xf32, #tpu.memory_space<hbm>>
        %dma_wait3A_19 = tpu.memref_squeeze %dma_wait3A_18 : memref<1x10240x128xf32, #tpu.memory_space<hbm>> -> memref<10240x128xf32, #tpu.memory_space<hbm>>
        tpu.wait_dma2 semaphore(%run_scoped3A : memref<!tpu.dma_semaphore, #tpu.memory_space<semaphore_mem>>) src(%arg10 : memref<10240x128xf32, #tpu.memory_space<vmem_shared>>) dst(%dma_wait3A_19 : memref<10240x128xf32, #tpu.memory_space<hbm>>)
        tpu.yield
      }) : () -> ()
    } else {
    }
    return
  }
}

module attributes {stable_mosaic.version = 14 : i64} {
  func.func @_mm1_body(%arg0: i32, %arg1: memref<512x128xf32, #tpu.memory_space<vmem>>, %arg2: memref<128x128xf32, #tpu.memory_space<vmem>>, %arg3: memref<2x512x128xf32, #tpu.memory_space<vmem>>, %arg4: memref<512x128xf32, #tpu.memory_space<vmem>>, %arg5: memref<512x1xf32, #tpu.memory_space<vmem>>) attributes {dimension_semantics = [#tpu.dimension_semantics<arbitrary>], iteration_bounds = array<i64: 20>, scalar_prefetch = 0 : i64, scratch_operands = 0 : i64, tpu.core_type = #tpu.core_type<tc>, window_params = [{transform_indices = @transform_0, window_bounds = array<i64: 512, 128>}, {pipeline_mode = #tpu.pipeline_mode<synchronous>, transform_indices = @transform_1, window_bounds = array<i64: 128, 128>}, {transform_indices = @transform_2, window_bounds = array<i64: 2, 512, 128>}, {transform_indices = @transform_3, window_bounds = array<i64: 512, 128>}, {transform_indices = @transform_4, window_bounds = array<i64: 512, 1>}]} {
    %get3A = arith.constant 0 : index
    %get3A_0 = arith.constant 0 : index
    %get3A_1 = arith.constant 0 : index
    %get3A_2 = vector.load %arg3[%get3A, %get3A_0, %get3A_1] : memref<2x512x128xf32, #tpu.memory_space<vmem>>, vector<1x512x128xf32>
    %get3A_3 = vector.shape_cast %get3A_2 : vector<1x512x128xf32> to vector<512x128xf32>
    %get3A_4 = arith.constant 1 : index
    %get3A_5 = arith.constant 0 : index
    %get3A_6 = arith.constant 0 : index
    %get3A_7 = vector.load %arg3[%get3A_4, %get3A_5, %get3A_6] : memref<2x512x128xf32, #tpu.memory_space<vmem>>, vector<1x512x128xf32>
    %get3A_8 = vector.shape_cast %get3A_7 : vector<1x512x128xf32> to vector<512x128xf32>
    %add3A = arith.addf %get3A_3, %get3A_8 : vector<512x128xf32>
    %reduce_sum3A = arith.constant dense<0.000000e+00> : vector<512xf32>
    %reduce_sum3A_9 = vector.multi_reduction <add>, %add3A, %reduce_sum3A [1] : vector<512x128xf32> to vector<512xf32>
    %broadcast_in_dim3A = vector.shape_cast %reduce_sum3A_9 : vector<512xf32> to vector<512x1xf32>
    %mul3A = arith.constant 7.812500e-03 : f32
    %mul3A_10 = vector.broadcast %mul3A : f32 to vector<512x1xf32>
    %mul3A_11 = arith.mulf %broadcast_in_dim3A, %mul3A_10 : vector<512x1xf32>
    %add3A_12 = arith.constant 1.000000e+00 : f32
    %add3A_13 = vector.broadcast %add3A_12 : f32 to vector<512x1xf32>
    %add3A_14 = arith.addf %mul3A_11, %add3A_13 : vector<512x1xf32>
    %rsqrt3A = math.rsqrt %add3A_14 : vector<512x1xf32>
    %swap3A = arith.constant 0 : index
    %swap3A_15 = arith.constant 0 : index
    %swap3A_16 = vector.load %arg5[%swap3A, %swap3A_15] : memref<512x1xf32, #tpu.memory_space<vmem>>, vector<512x1xf32>
    tpu.vector_store %arg5[%swap3A, %swap3A_15], %rsqrt3A {strides = array<i32>} : memref<512x1xf32, #tpu.memory_space<vmem>>, vector<512x1xf32>,
    %get3A_17 = arith.constant 0 : index
    %get3A_18 = arith.constant 0 : index
    %get3A_19 = vector.load %arg1[%get3A_17, %get3A_18] : memref<512x128xf32, #tpu.memory_space<vmem>>, vector<512x128xf32>
    %get3A_20 = arith.constant 0 : index
    %get3A_21 = arith.constant 0 : index
    %get3A_22 = vector.load %arg2[%get3A_20, %get3A_21] : memref<128x128xf32, #tpu.memory_space<vmem>>, vector<128x128xf32>
    %dot_general3A = arith.constant dense<0.000000e+00> : vector<512x128xf32>
    %dot_general3A_23 = tpu.matmul %get3A_19, %get3A_22, %dot_general3A {dimension_numbers = #tpu.dot_dimension_numbers<[1], [0], [0], [1], [0, 0, 1, 1], [], []>, transpose_lhs_hint = false} : vector<512x128xf32>, vector<128x128xf32>, vector<512x128xf32> -> vector<512x128xf32>
    %mul3A_24 = vector.broadcast %rsqrt3A : vector<512x1xf32> to vector<512x128xf32>
    %mul3A_25 = arith.mulf %mul3A_24, %dot_general3A_23 : vector<512x128xf32>
    %swap3A_26 = arith.constant 0 : index
    %swap3A_27 = arith.constant 0 : index
    %swap3A_28 = vector.load %arg4[%swap3A_26, %swap3A_27] : memref<512x128xf32, #tpu.memory_space<vmem>>, vector<512x128xf32>
    tpu.vector_store %arg4[%swap3A_26, %swap3A_27], %mul3A_25 {strides = array<i32>} : memref<512x128xf32, #tpu.memory_space<vmem>>, vector<512x128xf32>,
    return
  }
  func.func @transform_0(%arg0: i32) -> (i32, i32) {
    %c0_i32 = arith.constant 0 : i32
    %c0_i32_0 = arith.constant 0 : i32
    return %arg0, %c0_i32 : i32, i32
  }
  func.func @transform_1(%arg0: i32) -> (i32, i32) {
    %c0_i32 = arith.constant 0 : i32
    %c0_i32_0 = arith.constant 0 : i32
    %c0_i32_1 = arith.constant 0 : i32
    return %c0_i32, %c0_i32_0 : i32, i32
  }
  func.func @transform_2(%arg0: i32) -> (i32, i32, i32) {
    %c0_i32 = arith.constant 0 : i32
    %c0_i32_0 = arith.constant 0 : i32
    %c0_i32_1 = arith.constant 0 : i32
    return %c0_i32, %arg0, %c0_i32_0 : i32, i32, i32
  }
  func.func @transform_3(%arg0: i32) -> (i32, i32) {
    %c0_i32 = arith.constant 0 : i32
    %c0_i32_0 = arith.constant 0 : i32
    return %arg0, %c0_i32 : i32, i32
  }
  func.func @transform_4(%arg0: i32) -> (i32, i32) {
    %c0_i32 = arith.constant 0 : i32
    %c0_i32_0 = arith.constant 0 : i32
    return %arg0, %c0_i32 : i32, i32
  }
}

module attributes {stable_mosaic.version = 14 : i64} {
  func.func @_mm2_body(%arg0: i32, %arg1: memref<2x512x128xf32, #tpu.memory_space<vmem>>, %arg2: memref<512x128xf32, #tpu.memory_space<vmem>>, %arg3: memref<512x1xf32, #tpu.memory_space<vmem>>, %arg4: memref<1x128xf32, #tpu.memory_space<vmem>>, %arg5: memref<128x128xf32, #tpu.memory_space<vmem>>, %arg6: memref<512x128xf32, #tpu.memory_space<vmem>>) attributes {dimension_semantics = [#tpu.dimension_semantics<arbitrary>], iteration_bounds = array<i64: 20>, scalar_prefetch = 0 : i64, scratch_operands = 0 : i64, tpu.core_type = #tpu.core_type<tc>, window_params = [{transform_indices = @transform_0, window_bounds = array<i64: 2, 512, 128>}, {transform_indices = @transform_1, window_bounds = array<i64: 512, 128>}, {transform_indices = @transform_2, window_bounds = array<i64: 512, 1>}, {pipeline_mode = #tpu.pipeline_mode<synchronous>, transform_indices = @transform_3, window_bounds = array<i64: 1, 128>}, {pipeline_mode = #tpu.pipeline_mode<synchronous>, transform_indices = @transform_4, window_bounds = array<i64: 128, 128>}, {transform_indices = @transform_5, window_bounds = array<i64: 512, 128>}]} {
    %get3A = arith.constant 0 : index
    %get3A_0 = arith.constant 0 : index
    %get3A_1 = vector.load %arg3[%get3A, %get3A_0] : memref<512x1xf32, #tpu.memory_space<vmem>>, vector<512x1xf32>
    %get3A_2 = arith.constant 0 : index
    %get3A_3 = arith.constant 0 : index
    %get3A_4 = arith.constant 0 : index
    %get3A_5 = vector.load %arg1[%get3A_2, %get3A_3, %get3A_4] : memref<2x512x128xf32, #tpu.memory_space<vmem>>, vector<1x512x128xf32>
    %get3A_6 = vector.shape_cast %get3A_5 : vector<1x512x128xf32> to vector<512x128xf32>
    %get3A_7 = arith.constant 1 : index
    %get3A_8 = arith.constant 0 : index
    %get3A_9 = arith.constant 0 : index
    %get3A_10 = vector.load %arg1[%get3A_7, %get3A_8, %get3A_9] : memref<2x512x128xf32, #tpu.memory_space<vmem>>, vector<1x512x128xf32>
    %get3A_11 = vector.shape_cast %get3A_10 : vector<1x512x128xf32> to vector<512x128xf32>
    %add3A = arith.addf %get3A_6, %get3A_11 : vector<512x128xf32>
    %get3A_12 = arith.constant 0 : index
    %get3A_13 = arith.constant 0 : index
    %get3A_14 = vector.load %arg2[%get3A_12, %get3A_13] : memref<512x128xf32, #tpu.memory_space<vmem>>, vector<512x128xf32>
    %add3A_15 = arith.addf %add3A, %get3A_14 : vector<512x128xf32>
    %mul3A = vector.broadcast %get3A_1 : vector<512x1xf32> to vector<512x128xf32>
    %mul3A_16 = arith.mulf %mul3A, %add3A_15 : vector<512x128xf32>
    %get3A_17 = arith.constant 0 : index
    %get3A_18 = arith.constant 0 : index
    %get3A_19 = vector.load %arg4[%get3A_17, %get3A_18] : memref<1x128xf32, #tpu.memory_space<vmem>>, vector<1x128xf32>
    %add3A_20 = vector.broadcast %get3A_19 : vector<1x128xf32> to vector<512x128xf32>
    %add3A_21 = arith.addf %mul3A_16, %add3A_20 : vector<512x128xf32>
    %max3A = arith.constant 0.000000e+00 : f32
    %max3A_22 = vector.broadcast %max3A : f32 to vector<512x128xf32>
    %max3A_23 = arith.maximumf %add3A_21, %max3A_22 : vector<512x128xf32>
    %get3A_24 = arith.constant 0 : index
    %get3A_25 = arith.constant 0 : index
    %get3A_26 = vector.load %arg5[%get3A_24, %get3A_25] : memref<128x128xf32, #tpu.memory_space<vmem>>, vector<128x128xf32>
    %dot_general3A = arith.constant dense<0.000000e+00> : vector<512x128xf32>
    %dot_general3A_27 = tpu.matmul %max3A_23, %get3A_26, %dot_general3A {dimension_numbers = #tpu.dot_dimension_numbers<[1], [0], [0], [1], [0, 0, 1, 1], [], []>, transpose_lhs_hint = false} : vector<512x128xf32>, vector<128x128xf32>, vector<512x128xf32> -> vector<512x128xf32>
    %mul3A_28 = vector.broadcast %get3A_1 : vector<512x1xf32> to vector<512x128xf32>
    %mul3A_29 = arith.mulf %mul3A_28, %dot_general3A_27 : vector<512x128xf32>
    %swap3A = arith.constant 0 : index
    %swap3A_30 = arith.constant 0 : index
    %swap3A_31 = vector.load %arg6[%swap3A, %swap3A_30] : memref<512x128xf32, #tpu.memory_space<vmem>>, vector<512x128xf32>
    tpu.vector_store %arg6[%swap3A, %swap3A_30], %mul3A_29 {strides = array<i32>} : memref<512x128xf32, #tpu.memory_space<vmem>>, vector<512x128xf32>,
    return
  }
  func.func @transform_0(%arg0: i32) -> (i32, i32, i32) {
    %c0_i32 = arith.constant 0 : i32
    %c0_i32_0 = arith.constant 0 : i32
    %c0_i32_1 = arith.constant 0 : i32
    return %c0_i32, %arg0, %c0_i32_0 : i32, i32, i32
  }
  func.func @transform_1(%arg0: i32) -> (i32, i32) {
    %c0_i32 = arith.constant 0 : i32
    %c0_i32_0 = arith.constant 0 : i32
    return %arg0, %c0_i32 : i32, i32
  }
  func.func @transform_2(%arg0: i32) -> (i32, i32) {
    %c0_i32 = arith.constant 0 : i32
    %c0_i32_0 = arith.constant 0 : i32
    return %arg0, %c0_i32 : i32, i32
  }
  func.func @transform_3(%arg0: i32) -> (i32, i32) {
    %c0_i32 = arith.constant 0 : i32
    %c0_i32_0 = arith.constant 0 : i32
    %c0_i32_1 = arith.constant 0 : i32
    return %c0_i32, %c0_i32_0 : i32, i32
  }
  func.func @transform_4(%arg0: i32) -> (i32, i32) {
    %c0_i32 = arith.constant 0 : i32
    %c0_i32_0 = arith.constant 0 : i32
    %c0_i32_1 = arith.constant 0 : i32
    return %c0_i32, %c0_i32_0 : i32, i32
  }
  func.func @transform_5(%arg0: i32) -> (i32, i32) {
    %c0_i32 = arith.constant 0 : i32
    %c0_i32_0 = arith.constant 0 : i32
    return %arg0, %c0_i32 : i32, i32
  }
}

module attributes {stable_mosaic.version = 14 : i64} {
  func.func @_fin_body(%arg0: i32, %arg1: memref<2x512x128xf32, #tpu.memory_space<vmem>>, %arg2: memref<512x128xf32, #tpu.memory_space<vmem>>, %arg3: memref<512x1xf32, #tpu.memory_space<vmem>>, %arg4: memref<1x128xf32, #tpu.memory_space<vmem>>, %arg5: memref<512x128xf32, #tpu.memory_space<vmem>>) attributes {dimension_semantics = [#tpu.dimension_semantics<arbitrary>], iteration_bounds = array<i64: 20>, scalar_prefetch = 0 : i64, scratch_operands = 0 : i64, tpu.core_type = #tpu.core_type<tc>, window_params = [{transform_indices = @transform_0, window_bounds = array<i64: 2, 512, 128>}, {transform_indices = @transform_1, window_bounds = array<i64: 512, 128>}, {transform_indices = @transform_2, window_bounds = array<i64: 512, 1>}, {pipeline_mode = #tpu.pipeline_mode<synchronous>, transform_indices = @transform_3, window_bounds = array<i64: 1, 128>}, {transform_indices = @transform_4, window_bounds = array<i64: 512, 128>}]} {
    %get3A = arith.constant 0 : index
    %get3A_0 = arith.constant 0 : index
    %get3A_1 = vector.load %arg3[%get3A, %get3A_0] : memref<512x1xf32, #tpu.memory_space<vmem>>, vector<512x1xf32>
    %get3A_2 = arith.constant 0 : index
    %get3A_3 = arith.constant 0 : index
    %get3A_4 = arith.constant 0 : index
    %get3A_5 = vector.load %arg1[%get3A_2, %get3A_3, %get3A_4] : memref<2x512x128xf32, #tpu.memory_space<vmem>>, vector<1x512x128xf32>
    %get3A_6 = vector.shape_cast %get3A_5 : vector<1x512x128xf32> to vector<512x128xf32>
    %get3A_7 = arith.constant 1 : index
    %get3A_8 = arith.constant 0 : index
    %get3A_9 = arith.constant 0 : index
    %get3A_10 = vector.load %arg1[%get3A_7, %get3A_8, %get3A_9] : memref<2x512x128xf32, #tpu.memory_space<vmem>>, vector<1x512x128xf32>
    %get3A_11 = vector.shape_cast %get3A_10 : vector<1x512x128xf32> to vector<512x128xf32>
    %add3A = arith.addf %get3A_6, %get3A_11 : vector<512x128xf32>
    %get3A_12 = arith.constant 0 : index
    %get3A_13 = arith.constant 0 : index
    %get3A_14 = vector.load %arg2[%get3A_12, %get3A_13] : memref<512x128xf32, #tpu.memory_space<vmem>>, vector<512x128xf32>
    %add3A_15 = arith.addf %add3A, %get3A_14 : vector<512x128xf32>
    %mul3A = vector.broadcast %get3A_1 : vector<512x1xf32> to vector<512x128xf32>
    %mul3A_16 = arith.mulf %mul3A, %add3A_15 : vector<512x128xf32>
    %get3A_17 = arith.constant 0 : index
    %get3A_18 = arith.constant 0 : index
    %get3A_19 = vector.load %arg4[%get3A_17, %get3A_18] : memref<1x128xf32, #tpu.memory_space<vmem>>, vector<1x128xf32>
    %add3A_20 = vector.broadcast %get3A_19 : vector<1x128xf32> to vector<512x128xf32>
    %add3A_21 = arith.addf %mul3A_16, %add3A_20 : vector<512x128xf32>
    %swap3A = arith.constant 0 : index
    %swap3A_22 = arith.constant 0 : index
    %swap3A_23 = vector.load %arg5[%swap3A, %swap3A_22] : memref<512x128xf32, #tpu.memory_space<vmem>>, vector<512x128xf32>
    tpu.vector_store %arg5[%swap3A, %swap3A_22], %add3A_21 {strides = array<i32>} : memref<512x128xf32, #tpu.memory_space<vmem>>, vector<512x128xf32>,
    return
  }
  func.func @transform_0(%arg0: i32) -> (i32, i32, i32) {
    %c0_i32 = arith.constant 0 : i32
    %c0_i32_0 = arith.constant 0 : i32
    %c0_i32_1 = arith.constant 0 : i32
    return %c0_i32, %arg0, %c0_i32_0 : i32, i32, i32
  }
  func.func @transform_1(%arg0: i32) -> (i32, i32) {
    %c0_i32 = arith.constant 0 : i32
    %c0_i32_0 = arith.constant 0 : i32
    return %arg0, %c0_i32 : i32, i32
  }
  func.func @transform_2(%arg0: i32) -> (i32, i32) {
    %c0_i32 = arith.constant 0 : i32
    %c0_i32_0 = arith.constant 0 : i32
    return %arg0, %c0_i32 : i32, i32
  }
  func.func @transform_3(%arg0: i32) -> (i32, i32) {
    %c0_i32 = arith.constant 0 : i32
    %c0_i32_0 = arith.constant 0 : i32
    %c0_i32_1 = arith.constant 0 : i32
    return %c0_i32, %c0_i32_0 : i32, i32
  }
  func.func @transform_4(%arg0: i32) -> (i32, i32) {
    %c0_i32 = arith.constant 0 : i32
    %c0_i32_0 = arith.constant 0 : i32
    return %arg0, %c0_i32 : i32, i32
  }
}

</mosaic_0001>

<sc_bundles>
// kernel: kernel.11.cloned.1.call-start
scs
__scs_entry_jumppad:
0x0: {  	(pc) =	sbr.rel $0x88, $3  }
0x1: {  	(tag) =	ssettag $0x0;
	lr =	simm.s32 $0x1  }
0x2: {  	[smem:$0x3F9B] =	sst lr;
	_ =	strace $0xD0000000  }
0x3: {  	_ = 	snop  }
0x4: {  	_ = 	snop  }
0x5: {  	_ = 	snop  }
0x6: {  	_ = 	snop  }
0x7: {  	_ = 	snop  }
__scs_overlays_trampoline_lowered:
0x8: {  	[smem:$0x3FAA] =	sst s0  }
0x9: {  	[smem:$0x3FAB] =	sst s1  }
0xa: {  	[smem:$0x3FAC] =	sst s2  }
0xb: {  	[smem:$0x3FAD] =	sst s3  }
0xc: {  	[smem:$0x3FAE] =	sst s4  }
0xd: {  	[smem:$0x3FAF] =	sst s5  }
0xe: {  	[smem:$0x3FB0] =	sst s6  }
0xf: {  	[smem:$0x3FB1] =	sst s7  }
0x10: {  	[smem:$0x3FB2] =	sst s8  }
0x11: {  	[smem:$0x3FB3] =	sst s9;
	s0 =	simm.s32 @!p0 $0x0  }
0x12: {  	s1 =	sld [smem:$0x3F99];
	s0 =	simm.s32 @p0 $0x1  }
0x13: {  	[smem:$0x3FB4] =	sst s0;
	s0 =	simm.s32 @!p1 $0x0  }
0x14: {  	s2 =	sld [smem:$0x3F98];
	s0 =	simm.s32 @p1 $0x1  }
0x15: {  	[smem:$0x3FB5] =	sst s0;
	s0 =	simm.s32 @!p2 $0x0  }
0x16: {  	s3 =	sld [smem:$0x3FDB];
	s0 =	simm.s32 @p2 $0x1  }
0x17: {  	s4 =	simm.s32 $0x1BF5;
	[smem:$0x3FB7] =	sst s0  }
0x18: {  	s0 =	sld [smem:$0x3F9A];
	_ =	swait.ge [sflag:s4], $0x0  }
0x19: {  	s7 =	sld [smem:$0x3F9B]  }
0x1a: {  	s8 =	sadd.s32 $0xFFFFE003, lr  }
0x1b: {  	s9 =	sadd.s32 $0xFFFFFEF7, lr;
	s5 =	simm.s32 $0xFFFFFFFF;
	p2 =	slt.u32 s8, $0xFFFFF086  }
0x1c: {  	p1 =	slt.u32 s9, $0xF7A;
	s5 =	simm.s32 @!p2 $0x0  }
0x1d: {  	s5 =	simm.s32 @p1 $0x1;
	p0 =	seq.s32 s7, s2  }
0x1e: {  	s7 =	smul.u32 @!p0 $0xF7A, s2;
	p2 =	seq.s32 @!p0 s5, $0x0  }
0x1f: {  	s9 =	smul.u32 $0xF7A, s1;
	s8 =	simm.s32 @!p0 $0x1BF5;
	p2 =	por !p2, p0  }
0x20: {  	[sflag:s8] =	ssyncset.s32 @!p0 $0xFFFFF086;
	s6 =	sadd.s32 @!p0 s3, s7;
	s7 =	simm.s32 @!p0 $0x108  }
0x21: {  	s3 =	sadd.s32 s3, s9;
	s6 =	sadd.s32 @!p0 $0x88, s6;
	s7 =	simm.s32 @p2 $0x1082  }
0x22: {  	[simem:s7], [sflag:s8] =	dma.local @!p0 [hbm:s6], $0xF7A  }
0x23: {  	s9 =	sor.u32 $0xD0000000, s2;
	s6 =	simm.s32 $0x108;
	_ =	swait.ge @!p0 [sflag:s8], $0x0  }
0x24: {  	s3 =	sadd.s32 $0x88, s3;
	s6 =	simm.s32 @!p1 $0x1082;
	[sflag:s4] =	ssyncset.s32 $0xFFFFF086  }
0x25: {  	[simem:s6], [sflag:s4] =	dma.local [hbm:s3], $0xF7A  }
0x26: {  	[smem:$0x3F9B] =	sst s1;
	(tag) =	ssettag s2;
	_ =	strace s9  }
0x27: {  	s1 =	sld [smem:$0x3FAB]  }
0x28: {  	s2 =	sld [smem:$0x3FAC]  }
0x29: {  	s4 =	sld [smem:$0x3FAE]  }
0x2a: {  	p0 =	seq.s32 s5, $0x0;
	s5 =	sld [smem:$0x3FAF]  }
0x2b: {  	s6 =	sld [smem:$0x3FB0]  }
0x2c: {  	s7 =	sld [smem:$0x3FB1]  }
0x2d: {  	s3 =	simm.s32 $0x108;
	s8 =	sld [smem:$0x3FB2]  }
0x2e: {  	s3 =	simm.s32 @!p0 $0x1082;
	s9 =	sld [smem:$0x3FB3]  }
0x2f: {  	lr =	sadd.s32 s0, s3;
	s0 =	sld [smem:$0x3FAA]  }
0x30: {  	s3 =	sld [smem:$0x3FAD]  }
0x31: {  	[smem:$0x3FB6] =	sst s10  }
0x32: {  	s10 =	sld [smem:$0x3FB4];
	_ =	sdelay $0x3  }
0x33: {  	p0 =	seq.s32 s10, $0x1;
	s10 =	sld [smem:$0x3FB6];
	_ =	sdelay $0x3  }
0x34: {  	[smem:$0x3FB6] =	sst s10  }
0x35: {  	s10 =	sld [smem:$0x3FB5];
	_ =	sdelay $0x3  }
0x36: {  	p1 =	seq.s32 s10, $0x1;
	s10 =	sld [smem:$0x3FB6];
	_ =	sdelay $0x3  }
0x37: {  	[smem:$0x3FB6] =	sst s10  }
0x38: {  	s10 =	sld [smem:$0x3FB7]  }
0x39: {  	_ = 	snop;
	(pc) =	sbr.ind lr, $3  }
0x3a: {  	_ = 	snop  }
0x3b: {  	_ = 	snop  }
0x3c: {  	p2 =	seq.s32 s10, $0x1;
	s10 =	sld [smem:$0x3FB6]  }
0x3d: {  	_ =	shalt  }
0x3e: {  	_ =	shalt  }
0x3f: {  	_ =	shalt  }
0x40: {  	_ =	shalt  }
0x41: {  	_ =	shalt  }
0x42: {  	_ =	shalt  }
0x43: {  	_ =	shalt  }
0x44: {  	_ =	shalt  }
0x45: {  	_ =	shalt  }
0x46: {  	_ =	shalt  }
0x47: {  	_ =	shalt  }
0x48: {  	_ =	shalt  }
0x49: {  	_ =	shalt  }
0x4a: {  	_ =	shalt  }
0x4b: {  	_ =	shalt  }
0x4c: {  	_ =	shalt  }
0x4d: {  	_ =	shalt  }
0x4e: {  	_ =	shalt  }
0x4f: {  	_ =	shalt  }
0x50: {  	_ =	shalt  }
0x51: {  	_ =	shalt  }
0x52: {  	_ =	shalt  }
0x53: {  	_ =	shalt  }
0x54: {  	_ =	shalt  }
0x55: {  	_ =	shalt  }
0x56: {  	_ =	shalt  }
0x57: {  	_ =	shalt  }
0x58: {  	_ =	shalt  }
0x59: {  	_ =	shalt  }
0x5a: {  	_ =	shalt  }
0x5b: {  	_ =	shalt  }
0x5c: {  	_ =	shalt  }
0x5d: {  	_ =	shalt  }
0x5e: {  	_ =	shalt  }
0x5f: {  	_ =	shalt  }
0x60: {  	_ =	shalt  }
0x61: {  	_ =	shalt  }
0x62: {  	_ =	shalt  }
0x63: {  	_ =	shalt  }
0x64: {  	_ =	shalt  }
0x65: {  	_ =	shalt  }
0x66: {  	_ =	shalt  }
0x67: {  	_ =	shalt  }
0x68: {  	_ =	shalt  }
0x69: {  	_ =	shalt  }
0x6a: {  	_ =	shalt  }
0x6b: {  	_ =	shalt  }
0x6c: {  	_ =	shalt  }
0x6d: {  	_ =	shalt  }
0x6e: {  	_ =	shalt  }
0x6f: {  	_ =	shalt  }
0x70: {  	_ =	shalt  }
0x71: {  	_ =	shalt  }
0x72: {  	_ =	shalt  }
0x73: {  	_ =	shalt  }
0x74: {  	_ =	shalt  }
0x75: {  	_ =	shalt  }
0x76: {  	_ =	shalt  }
0x77: {  	_ =	shalt  }
0x78: {  	_ =	shalt  }
0x79: {  	_ =	shalt  }
0x7a: {  	_ =	shalt  }
0x7b: {  	_ =	shalt  }
0x7c: {  	_ =	shalt  }
0x7d: {  	_ =	shalt  }
0x7e: {  	_ =	shalt  }
0x7f: {  	_ =	shalt  }
0x80: {  	_ =	shalt  }
0x81: {  	_ =	shalt  }
0x82: {  	_ =	shalt  }
0x83: {  	_ =	shalt  }
0x84: {  	_ =	shalt  }
0x85: {  	_ =	shalt  }
0x86: {  	_ =	shalt  }
0x87: {  	_ =	shalt  }
.Lfunc_end0:
.L_simem_size_0:
called_computation.1_lowered:
.L_overlay_start_0:
0x88: {  	s2 =	sld [smem:$0x3FD9]  }
0x89: {  	s3 =	sld [smem:$0x3FFE];
	_ =	sdelay $0x1  }
0x8a: {  	s1 =	srdreg.scid  }
0x8b: {  	s0 =	sand.u32 $0x1, s1  }
0x8c: {  	s17 =	sshll.u32 s0, $0xA;
	s2 =	sadd.s32 s3, s2  }
0x8d: {  	s2 =	sadd.s32 s2, s17  }
0x8e: {  	[smem:$0x3FC2] =	sst s2  }
0x8f: {  	_ = 	snop  }
0x90: {  	s2 =	sld [smem:$0x3FD0];
	(tm) =	ssettm $0x1  }
0x91: {  	s18 =	sld [smem:$0x3FFB];
	_ =	sdelay $0x3  }
0x92: {  	_ =	strace s18  }
0x93: {  	s3 =	sld [smem:$0x3FFC];
	_ =	sdelay $0x3  }
0x94: {  	_ =	strace s3  }
0x95: {  	s3 =	sld [smem:$0x3FFD];
	_ =	sdelay $0x3  }
0x96: {  	_ =	strace s3  }
0x97: {  	_ =	strace $0x8FFFFFFF  }
0x98: {  	s19 =	sld [smem:$0x3FDB];
	_ =	sdelay $0x1  }
0x99: {  	s4 =	simm.s32 $_scs_section_size  }
0x9a: {  	s5 =	simm.s32 $_size__tile_overlayer_lowered;
	s6 =	simm.s32 $_tile_overlayer_lowered  }
0x9b: {  	s22 =	simm.s32 $0x1BFF;
	s21 =	sshll.u32 s6, $0x1;
	s3 =	sadd.s32 s4, s19  }
0x9c: {  	s7 =	simm.s32 $0x0;
	s20 =	sshll.u32 s5, $0x1;
	s5 =	sadd.s32 s21, s3  }
0x9d: {  	[timem:s7], [sflag:s22] =	dma.local [hbm:s5], s20  }
0x9e: {  	_ =	swait.ge [sflag:s22], s20  }
0x9f: {  	s4 =	ssub.s32 $0x0, s20;
	[sflag:s22] =	ssyncset.done $0x0  }
0xa0: {  	[sflag:s22] =	ssyncadd.s32 s4;
	_ =	sdelay $0x1  }
0xa1: {  	s23 =	simm.s32 $0x1B8B  }
0xa2: {  	_ =	swait.ge [sflag:s23], $0x1  }
0xa3: {  	[sflag:s23] =	ssyncset.done $0x0  }
0xa4: {  	s25 =	simm.s32 $0x1B8E;
	s24 =	sld [smem:$0x3FFE];
	[sflag:s23] =	ssyncadd.s32 $0xFFFFFFFF  }
0xa5: {  	s26 =	simm.s32 $execute0_lowered;
	[smem:$0x3FD2] =	sst s25  }
0xa6: {  	s5 =	sshll.u32 s26, $0x1;
	_ =	strace $0x80000049;
	[dreg:$0x1] =	wrdreg $0xFFFFFFFF  }
0xa7: {  	s28 =	simm.s32 $_size_execute0_lowered;
	s3 =	sadd.s32 s3, s5;
	[dreg:$0x0] =	wrdreg $0x0  }
0xa8: {  	s5 =	sshll.u32 s28, $0x1;
	[dreg:$0x2] =	wrdreg s3  }
0xa9: {  	[dreg:$0x3] =	wrdreg s5  }
0xaa: {  	[dreg:$0x4] =	wrdreg $0xC0  }
0xab: {  	_ =	task [dreg:s7], $0x5FFFF  }
0xac: {  	[dreg:$0x1] =	wrdreg $0xFFFFFFFF  }
0xad: {  	[dreg:$0x0] =	wrdreg $0x60  }
0xae: {  	[dreg:$0x2] =	wrdreg s2  }
0xaf: {  	[dreg:$0x3] =	wrdreg s24  }
0xb0: {  	[dreg:$0x4] =	wrdreg $0x90000  }
0xb1: {  	[dreg:$0x5] =	wrdreg $0x9  }
0xb2: {  	_ =	task.clear_ibuf [dreg:s7], $0x6FFFF;
	_ =	strace $0x90000049  }
0xb3: {  	s29 =	simm.s32 $0x9;
	_ =	strace $0x8000004B  }
0xb4: {  	_ =	swait.ge [sflag:s29], $0x1  }
0xb5: {  	[sflag:s29] =	ssyncadd.s32 $0xFFFFFFFF  }
0xb6: {  	_ =	strace $0x9000004B  }
0xb7: {  	_ =	sfence  }
0xb8: {  	s30 =	sld [smem:$0x0];
	_ =	sdelay $0x2  }
0xb9: {  	s31 =	sshll.u32 s1, $0xD;
	s1 =	sshrl.u32 s1, $0x2  }
0xba: {  	s3 =	sand.u32 $0x4000, s31;
	s1 =	sadd.s32 s1, s30  }
0xbb: {  	s0 =	sor.u32 s3, s0;
	s1 =	sshll.u32 s1, $0x11  }
0xbc: {  	s0 =	sor.u32 s1, s0  }
0xbd: {  	s0 =	sadd.s32 $0x8F2B, s0  }
0xbe: {  	[sflag:s0] =	ssyncadd.remote.s32 $0x1  }
0xbf: {  	_ =	sfence.sel $0xFFFF  }
0xc0: {  	[dreg:$0x0] =	wrdreg $0xFFFFFFFF;
	(pc) =	sbr.abs _section_cstart, $3  }
0xc1: {  	[dreg:$0x1] =	wrdreg $0xFFFFFFFF  }
0xc2: {  	_ =	task.clear_ibuf [dreg:s7], $0x2FFFF;
	_ =	strace $0x9FFFFFFF  }
0xc3: {  	(tm) =	ssettm $0x7FFFFFFF  }
tec
execute0_lowered:
.L_overlay_start_1:
0x0: {  	(tag) =	ssettag $0x1  }
0x1: {  	s5 =	rddreg [dreg:$0x0]  }
0x2: {  	s0 =	srdreg.scid;
	s6 =	rddreg [dreg:$0x1]  }
0x3: {  	s1 =	rddreg [dreg:$0x2];
	s7 =	stileid.u32;
	s2 =	simm.s32 $0x0  }
0x4: {  	s13 =	simm.s32 $0x5000;
	s3 =	sand.u32 $0x1, s0;
	s0 =	rddreg [dreg:$0x3]  }
0x5: {  	s14 =	simm.s32 $0x1;
	s15 =	simm.s32 $0x0;
	[smem:$0x7FF] =	sst s2  }
0x6: {  	p0 =	sne.s32 s7, $0x0;
	s4 =	sshll.u32 s3, $0x4;
	_ =	strace $0x8000004A  }
0x7: {  	s9 =	smul.u32 $0x28000, s3;
	s10 =	ssub.s32 $0x2, s3;
	s4 =	sor.u32 s7, s4  }
0x8: {  	s3 =	sadd.s32 $0x34400, s6;
	s12 =	sshrl.u32 s10, $0x1;
	s8 =	smul.u32 $0x500, s4  }
0x9: {  	s4 =	sadd.s32 $0xC400, s6;
	s9 =	sadd.s32 s9, s6;
	s10 =	ssub.s32 s10, s12  }
0xa: {  	s12 =	simm.s32 $0x80;
	s7 =	sadd.s32 $0x5C400, s9;
	s9 =	sshrl.u32 @!p0 s1, $0x3  }
0xb: {  	s11 =	sadd.s32 s8, s6;
	s5 =	sadd.s32 s5, s8;
	s8 =	smax.u32 s10, $0x1  }
0xc: {  	s10 =	simm.s32 $0x2;
	s6 =	sadd.s32 $0x2400, s11;
	s11 =	simm.s32 $0x2800  }
.LBB2_1:
0xd: {  	s16 =	simm.s32 @!p0 $0x1C02  }
0xe: {  	[spmem:s9], [sflag:s16] =	dma.local @!p0 [hbm:s4], $0x28000  }
0xf: {  	s16 =	simm.s32 @!p0 $0x2  }
0x10: {  	_ =	swait.ge @!p0 [sflag:s16], $0x28000  }
0x11: {  	[sflag:s16] =	ssyncset.done @!p0 $0x0  }
0x12: {  	[sflag:s16] =	ssyncadd.s32 @!p0 $0xFFFD8000  }
0x13: {  	[tilespmem:s2], [sflag:$0x2] =	stream.linear.gather [hbm4b:s5+s2], $0x2780, $0x38;
	[tilespmem:$0x1D000] =	vst v63  }
0x14: {  	_ =	swait.ge [sflag:s10], $0x2780  }
0x15: {  	[sflag:s10] =	ssyncset.done $0x0  }
0x16: {  	[sflag:s10] =	ssyncadd.s32 $0xFFFFD880  }
0x17: {  	[tilespmem:s11], [sflag:$0x2] =	stream.linear.gather [hbm4b:s6+s2], $0x2780, $0x38;
	[tilespmem:$0x1D000] =	vst v63  }
0x18: {  	_ =	swait.ge [sflag:s10], $0x2780  }
0x19: {  	[sflag:s10] =	ssyncset.done $0x0  }
0x1a: {  	[sflag:s10] =	ssyncadd.s32 $0xFFFFD880  }
0x1b: {  	s30 =	simm.s32 $0x0;
	[bflag:$0x0] =	sbarrier.arrive $0xFFFF  }
0x1c: {  	[tilespmem:s13], [sflag:$0x1] =	stream.indirect.gather [hbm4b:s3+s12], $0x80, s30, s12, $0xb8;
	[tilespmem:$0x1D000] =	vst v63  }
0x1d: {  	_ =	swait.ge [sflag:s14], $0x4000  }
0x1e: {  	[sflag:s14] =	ssyncset.done $0x0  }
0x1f: {  	s31 =	simm.s32 $0x2800;
	[sflag:s14] =	ssyncadd.s32 $0xFFFFC000  }
0x20: {  	[spmem:s1] =	stream.indirect.scatter.add.f32 [tilespmem:s13], [sflag:$0x2], $0x80, s31, s12, $0xb8;
	[tilespmem:$0x1D000] =	vst v63  }
0x21: {  	_ =	swait.ge [sflag:s10], $0x4000  }
0x22: {  	s17 =	simm.s32 $0x400;
	s16 =	simm.s32 $0x200;
	[sflag:s10] =	ssyncset.done $0x0  }
.LBB2_2:
0x23: {  	s18 =	sshra.s32 s16, $0x2  }
0x24: {  	[sflag:s10] =	ssyncadd.s32 $0xFFFFC000;
	s16 =	smov.u32 s17;
	s19 =	sadd.s32 $0x200, s17  }
0x25: {  	[tilespmem:s13], [sflag:$0x1] =	stream.indirect.gather [hbm4b:s3+s12], $0x80, s18, s12, $0xb8;
	[tilespmem:$0x1D000] =	vst v63  }
0x26: {  	p1 =	sne.s32 s17, $0x9C00;
	_ =	swait.ge [sflag:s14], $0x4000  }
.Ltmp0:
0x27: {  	[sflag:s14] =	ssyncset.done $0x0;
	(pc) =	sbr.rel @p1 .LBB2_2-.Ltmp0, $4  }
0x28: {  	s17 =	sadd.s32 $0x2800, s18;
	[sflag:s14] =	ssyncadd.s32 $0xFFFFC000  }
0x29: {  	[spmem:s1] =	stream.indirect.scatter.add.f32 [tilespmem:s13], [sflag:$0x2], $0x80, s17, s12, $0xb8;
	[tilespmem:$0x1D000] =	vst v63  }
0x2a: {  	_ =	swait.ge [sflag:s10], $0x4000  }
0x2b: {  	s17 =	smov.u32 s19;
	[sflag:s10] =	ssyncset.done $0x0  }
0x2c: {  	s16 =	sshra.s32 s16, $0x2;
	[sflag:s10] =	ssyncadd.s32 $0xFFFFC000  }
0x2d: {  	[tilespmem:s13], [sflag:$0x1] =	stream.indirect.gather [hbm4b:s3+s12], $0x80, s16, s12, $0xb8;
	[tilespmem:$0x1D000] =	vst v63  }
0x2e: {  	_ =	swait.ge [sflag:s14], $0x4000  }
0x2f: {  	[sflag:s14] =	ssyncset.done $0x0  }
0x30: {  	s16 =	sadd.s32 $0x2800, s16;
	[sflag:s14] =	ssyncadd.s32 $0xFFFFC000  }
0x31: {  	[spmem:s1] =	stream.indirect.scatter.add.f32 [tilespmem:s13], [sflag:$0x2], $0x80, s16, s12, $0xb8;
	[tilespmem:$0x1D000] =	vst v63  }
0x32: {  	_ =	swait.ge [sflag:s10], $0x4000  }
0x33: {  	[sflag:s10] =	ssyncset.done $0x0  }
0x34: {  	s15 =	sadd.s32 $0x1, s15;
	[sflag:s10] =	ssyncadd.s32 $0xFFFFC000  }
0x35: {  	p1 =	sne.s32 s15, s8;
	s16 =	simm.s32 @!p0 $0x1C02;
	[bflag:$0x0] =	sbarrier.arrive $0xFFFF  }
0x36: {  	[hbm:s7], [sflag:s16] =	dma.local @!p0 [spmem:s9], $0x28000  }
.Ltmp1:
0x37: {  	_ = 	snop;
	(pc) =	sbr.rel @p1 .LBB2_1-.Ltmp1, $4  }
0x38: {  	s16 =	simm.s32 @!p0 $0x2  }
0x39: {  	_ =	swait.ge @!p0 [sflag:s16], $0x28000  }
0x3a: {  	[sflag:s16] =	ssyncset.done @!p0 $0x0  }
0x3b: {  	[sflag:s16] =	ssyncadd.s32 @!p0 $0xFFFD8000  }
0x3c: {  	_ =	sfence.sel $0x180000  }
0x3d: {  	[bflag:$0x0] =	sbarrier.arrive $0xFFFF  }
0x3e: {  	_ =	strace $0x9000004A  }
0x3f: {  	s0 =	sadd.s32 @!p0 $0x100000, s0;
	[bflag:$0x2] =	sbarrier.arrive $0xFFFF  }
0x40: {  	[sflag:s0] =	ssyncadd.tile.s32 @!p0 $0x1;
	_ =	shalt  }
.Lfunc_end2:
_tile_overlayer_lowered:
.L_overlay_start_2:
0x41: {  	(tag) =	ssettag $0x2  }
0x42: {  	s0 =	rddreg [dreg:$0x0];
	s2 =	stileid.u32  }
0x43: {  	s1 =	rddreg [dreg:$0x1];
	p0 =	sne.s32 s2, $0x0  }
0x44: {  	s3 =	rddreg [dreg:$0x2];
	[bflag:$0x3] =	sbarrier.arrive $0xFFFF;
	s2 =	simm.s32 @!p0 $0x1C02  }
0x45: {  	[timem:s3], [sflag:s2] =	dma.local @!p0 [hbm:s0], s1  }
0x46: {  	s0 =	simm.s32 @!p0 $0x2  }
0x47: {  	_ =	swait.ge @!p0 [sflag:s0], s1  }
0x48: {  	s1 =	ssub.s32 @!p0 $0x0, s1;
	[sflag:s0] =	ssyncset.done @!p0 $0x0  }
0x49: {  	[sflag:s0] =	ssyncadd.s32 @!p0 s1  }
0x4a: {  	[bflag:$0x3] =	sbarrier.arrive $0xFFFF  }
0x4b: {  	_ =	shalt  }

// kernel: kernel.14.cloned.1.call-start
scs
__scs_entry_jumppad:
0x0: {  	(pc) =	sbr.rel $0x88, $3  }
0x1: {  	(tag) =	ssettag $0x0;
	lr =	simm.s32 $0x1  }
0x2: {  	[smem:$0x3F9B] =	sst lr;
	_ =	strace $0xD0000000  }
0x3: {  	_ = 	snop  }
0x4: {  	_ = 	snop  }
0x5: {  	_ = 	snop  }
0x6: {  	_ = 	snop  }
0x7: {  	_ = 	snop  }
__scs_overlays_trampoline_lowered:
0x8: {  	[smem:$0x3FAA] =	sst s0  }
0x9: {  	[smem:$0x3FAB] =	sst s1  }
0xa: {  	[smem:$0x3FAC] =	sst s2  }
0xb: {  	[smem:$0x3FAD] =	sst s3  }
0xc: {  	[smem:$0x3FAE] =	sst s4  }
0xd: {  	[smem:$0x3FAF] =	sst s5  }
0xe: {  	[smem:$0x3FB0] =	sst s6  }
0xf: {  	[smem:$0x3FB1] =	sst s7  }
0x10: {  	[smem:$0x3FB2] =	sst s8  }
0x11: {  	[smem:$0x3FB3] =	sst s9;
	s0 =	simm.s32 @!p0 $0x0  }
0x12: {  	s1 =	sld [smem:$0x3F99];
	s0 =	simm.s32 @p0 $0x1  }
0x13: {  	[smem:$0x3FB4] =	sst s0;
	s0 =	simm.s32 @!p1 $0x0  }
0x14: {  	s2 =	sld [smem:$0x3F98];
	s0 =	simm.s32 @p1 $0x1  }
0x15: {  	[smem:$0x3FB5] =	sst s0;
	s0 =	simm.s32 @!p2 $0x0  }
0x16: {  	s3 =	sld [smem:$0x3FDB];
	s0 =	simm.s32 @p2 $0x1  }
0x17: {  	s4 =	simm.s32 $0x1BF5;
	[smem:$0x3FB7] =	sst s0  }
0x18: {  	s0 =	sld [smem:$0x3F9A];
	_ =	swait.ge [sflag:s4], $0x0  }
0x19: {  	s7 =	sld [smem:$0x3F9B]  }
0x1a: {  	s8 =	sadd.s32 $0xFFFFE003, lr  }
0x1b: {  	s9 =	sadd.s32 $0xFFFFFEF7, lr;
	s5 =	simm.s32 $0xFFFFFFFF;
	p2 =	slt.u32 s8, $0xFFFFF086  }
0x1c: {  	p1 =	slt.u32 s9, $0xF7A;
	s5 =	simm.s32 @!p2 $0x0  }
0x1d: {  	s5 =	simm.s32 @p1 $0x1;
	p0 =	seq.s32 s7, s2  }
0x1e: {  	s7 =	smul.u32 @!p0 $0xF7A, s2;
	p2 =	seq.s32 @!p0 s5, $0x0  }
0x1f: {  	s9 =	smul.u32 $0xF7A, s1;
	s8 =	simm.s32 @!p0 $0x1BF5;
	p2 =	por !p2, p0  }
0x20: {  	[sflag:s8] =	ssyncset.s32 @!p0 $0xFFFFF086;
	s6 =	sadd.s32 @!p0 s3, s7;
	s7 =	simm.s32 @!p0 $0x108  }
0x21: {  	s3 =	sadd.s32 s3, s9;
	s6 =	sadd.s32 @!p0 $0x88, s6;
	s7 =	simm.s32 @p2 $0x1082  }
0x22: {  	[simem:s7], [sflag:s8] =	dma.local @!p0 [hbm:s6], $0xF7A  }
0x23: {  	s9 =	sor.u32 $0xD0000000, s2;
	s6 =	simm.s32 $0x108;
	_ =	swait.ge @!p0 [sflag:s8], $0x0  }
0x24: {  	s3 =	sadd.s32 $0x88, s3;
	s6 =	simm.s32 @!p1 $0x1082;
	[sflag:s4] =	ssyncset.s32 $0xFFFFF086  }
0x25: {  	[simem:s6], [sflag:s4] =	dma.local [hbm:s3], $0xF7A  }
0x26: {  	[smem:$0x3F9B] =	sst s1;
	(tag) =	ssettag s2;
	_ =	strace s9  }
0x27: {  	s1 =	sld [smem:$0x3FAB]  }
0x28: {  	s2 =	sld [smem:$0x3FAC]  }
0x29: {  	s4 =	sld [smem:$0x3FAE]  }
0x2a: {  	p0 =	seq.s32 s5, $0x0;
	s5 =	sld [smem:$0x3FAF]  }
0x2b: {  	s6 =	sld [smem:$0x3FB0]  }
0x2c: {  	s7 =	sld [smem:$0x3FB1]  }
0x2d: {  	s3 =	simm.s32 $0x108;
	s8 =	sld [smem:$0x3FB2]  }
0x2e: {  	s3 =	simm.s32 @!p0 $0x1082;
	s9 =	sld [smem:$0x3FB3]  }
0x2f: {  	lr =	sadd.s32 s0, s3;
	s0 =	sld [smem:$0x3FAA]  }
0x30: {  	s3 =	sld [smem:$0x3FAD]  }
0x31: {  	[smem:$0x3FB6] =	sst s10  }
0x32: {  	s10 =	sld [smem:$0x3FB4];
	_ =	sdelay $0x3  }
0x33: {  	p0 =	seq.s32 s10, $0x1;
	s10 =	sld [smem:$0x3FB6];
	_ =	sdelay $0x3  }
0x34: {  	[smem:$0x3FB6] =	sst s10  }
0x35: {  	s10 =	sld [smem:$0x3FB5];
	_ =	sdelay $0x3  }
0x36: {  	p1 =	seq.s32 s10, $0x1;
	s10 =	sld [smem:$0x3FB6];
	_ =	sdelay $0x3  }
0x37: {  	[smem:$0x3FB6] =	sst s10  }
0x38: {  	s10 =	sld [smem:$0x3FB7]  }
0x39: {  	_ = 	snop;
	(pc) =	sbr.ind lr, $3  }
0x3a: {  	_ = 	snop  }
0x3b: {  	_ = 	snop  }
0x3c: {  	p2 =	seq.s32 s10, $0x1;
	s10 =	sld [smem:$0x3FB6]  }
0x3d: {  	_ =	shalt  }
0x3e: {  	_ =	shalt  }
0x3f: {  	_ =	shalt  }
0x40: {  	_ =	shalt  }
0x41: {  	_ =	shalt  }
0x42: {  	_ =	shalt  }
0x43: {  	_ =	shalt  }
0x44: {  	_ =	shalt  }
0x45: {  	_ =	shalt  }
0x46: {  	_ =	shalt  }
0x47: {  	_ =	shalt  }
0x48: {  	_ =	shalt  }
0x49: {  	_ =	shalt  }
0x4a: {  	_ =	shalt  }
0x4b: {  	_ =	shalt  }
0x4c: {  	_ =	shalt  }
0x4d: {  	_ =	shalt  }
0x4e: {  	_ =	shalt  }
0x4f: {  	_ =	shalt  }
0x50: {  	_ =	shalt  }
0x51: {  	_ =	shalt  }
0x52: {  	_ =	shalt  }
0x53: {  	_ =	shalt  }
0x54: {  	_ =	shalt  }
0x55: {  	_ =	shalt  }
0x56: {  	_ =	shalt  }
0x57: {  	_ =	shalt  }
0x58: {  	_ =	shalt  }
0x59: {  	_ =	shalt  }
0x5a: {  	_ =	shalt  }
0x5b: {  	_ =	shalt  }
0x5c: {  	_ =	shalt  }
0x5d: {  	_ =	shalt  }
0x5e: {  	_ =	shalt  }
0x5f: {  	_ =	shalt  }
0x60: {  	_ =	shalt  }
0x61: {  	_ =	shalt  }
0x62: {  	_ =	shalt  }
0x63: {  	_ =	shalt  }
0x64: {  	_ =	shalt  }
0x65: {  	_ =	shalt  }
0x66: {  	_ =	shalt  }
0x67: {  	_ =	shalt  }
0x68: {  	_ =	shalt  }
0x69: {  	_ =	shalt  }
0x6a: {  	_ =	shalt  }
0x6b: {  	_ =	shalt  }
0x6c: {  	_ =	shalt  }
0x6d: {  	_ =	shalt  }
0x6e: {  	_ =	shalt  }
0x6f: {  	_ =	shalt  }
0x70: {  	_ =	shalt  }
0x71: {  	_ =	shalt  }
0x72: {  	_ =	shalt  }
0x73: {  	_ =	shalt  }
0x74: {  	_ =	shalt  }
0x75: {  	_ =	shalt  }
0x76: {  	_ =	shalt  }
0x77: {  	_ =	shalt  }
0x78: {  	_ =	shalt  }
0x79: {  	_ =	shalt  }
0x7a: {  	_ =	shalt  }
0x7b: {  	_ =	shalt  }
0x7c: {  	_ =	shalt  }
0x7d: {  	_ =	shalt  }
0x7e: {  	_ =	shalt  }
0x7f: {  	_ =	shalt  }
0x80: {  	_ =	shalt  }
0x81: {  	_ =	shalt  }
0x82: {  	_ =	shalt  }
0x83: {  	_ =	shalt  }
0x84: {  	_ =	shalt  }
0x85: {  	_ =	shalt  }
0x86: {  	_ =	shalt  }
0x87: {  	_ =	shalt  }
.Lfunc_end0:
.L_simem_size_0:
called_computation.2_lowered:
.L_overlay_start_0:
0x88: {  	s2 =	sld [smem:$0x3FD9]  }
0x89: {  	s3 =	sld [smem:$0x3FFE];
	_ =	sdelay $0x1  }
0x8a: {  	s1 =	srdreg.scid  }
0x8b: {  	s0 =	sand.u32 $0x1, s1  }
0x8c: {  	s17 =	sshll.u32 s0, $0xA;
	s2 =	sadd.s32 s3, s2  }
0x8d: {  	s2 =	sadd.s32 s2, s17  }
0x8e: {  	[smem:$0x3FC2] =	sst s2  }
0x8f: {  	_ = 	snop  }
0x90: {  	s2 =	sld [smem:$0x3FD0];
	(tm) =	ssettm $0x1  }
0x91: {  	s18 =	sld [smem:$0x3FFB];
	_ =	sdelay $0x3  }
0x92: {  	_ =	strace s18  }
0x93: {  	s3 =	sld [smem:$0x3FFC];
	_ =	sdelay $0x3  }
0x94: {  	_ =	strace s3  }
0x95: {  	s3 =	sld [smem:$0x3FFD];
	_ =	sdelay $0x3  }
0x96: {  	_ =	strace s3  }
0x97: {  	_ =	strace $0x8FFFFFFF  }
0x98: {  	s19 =	sld [smem:$0x3FDB];
	_ =	sdelay $0x1  }
0x99: {  	s4 =	simm.s32 $_scs_section_size  }
0x9a: {  	s5 =	simm.s32 $_size__tile_overlayer_lowered;
	s6 =	simm.s32 $_tile_overlayer_lowered  }
0x9b: {  	s22 =	simm.s32 $0x1BFF;
	s21 =	sshll.u32 s6, $0x1;
	s3 =	sadd.s32 s4, s19  }
0x9c: {  	s7 =	simm.s32 $0x0;
	s20 =	sshll.u32 s5, $0x1;
	s5 =	sadd.s32 s21, s3  }
0x9d: {  	[timem:s7], [sflag:s22] =	dma.local [hbm:s5], s20  }
0x9e: {  	_ =	swait.ge [sflag:s22], s20  }
0x9f: {  	s4 =	ssub.s32 $0x0, s20;
	[sflag:s22] =	ssyncset.done $0x0  }
0xa0: {  	[sflag:s22] =	ssyncadd.s32 s4;
	_ =	sdelay $0x1  }
0xa1: {  	s23 =	simm.s32 $0x1B8B  }
0xa2: {  	_ =	swait.ge [sflag:s23], $0x1  }
0xa3: {  	[sflag:s23] =	ssyncset.done $0x0  }
0xa4: {  	s25 =	simm.s32 $0x1B8E;
	s24 =	sld [smem:$0x3FFE];
	[sflag:s23] =	ssyncadd.s32 $0xFFFFFFFF  }
0xa5: {  	s26 =	simm.s32 $execute0_lowered;
	[smem:$0x3FD2] =	sst s25  }
0xa6: {  	s5 =	sshll.u32 s26, $0x1;
	_ =	strace $0x8000004C;
	[dreg:$0x1] =	wrdreg $0xFFFFFFFF  }
0xa7: {  	s28 =	simm.s32 $_size_execute0_lowered;
	s3 =	sadd.s32 s3, s5;
	[dreg:$0x0] =	wrdreg $0x0  }
0xa8: {  	s5 =	sshll.u32 s28, $0x1;
	[dreg:$0x2] =	wrdreg s3  }
0xa9: {  	[dreg:$0x3] =	wrdreg s5  }
0xaa: {  	[dreg:$0x4] =	wrdreg $0xC0  }
0xab: {  	_ =	task [dreg:s7], $0x5FFFF  }
0xac: {  	[dreg:$0x1] =	wrdreg $0xFFFFFFFF  }
0xad: {  	[dreg:$0x0] =	wrdreg $0x60  }
0xae: {  	[dreg:$0x2] =	wrdreg s2  }
0xaf: {  	[dreg:$0x3] =	wrdreg s24  }
0xb0: {  	[dreg:$0x4] =	wrdreg $0x90000  }
0xb1: {  	[dreg:$0x5] =	wrdreg $0x9  }
0xb2: {  	_ =	task.clear_ibuf [dreg:s7], $0x6FFFF;
	_ =	strace $0x9000004C  }
0xb3: {  	s29 =	simm.s32 $0x9;
	_ =	strace $0x8000004E  }
0xb4: {  	_ =	swait.ge [sflag:s29], $0x1  }
0xb5: {  	[sflag:s29] =	ssyncadd.s32 $0xFFFFFFFF  }
0xb6: {  	_ =	strace $0x9000004E  }
0xb7: {  	_ =	sfence  }
0xb8: {  	s30 =	sld [smem:$0x0];
	_ =	sdelay $0x2  }
0xb9: {  	s31 =	sshll.u32 s1, $0xD;
	s1 =	sshrl.u32 s1, $0x2  }
0xba: {  	s3 =	sand.u32 $0x4000, s31;
	s1 =	sadd.s32 s1, s30  }
0xbb: {  	s0 =	sor.u32 s3, s0;
	s1 =	sshll.u32 s1, $0x11  }
0xbc: {  	s0 =	sor.u32 s1, s0  }
0xbd: {  	s0 =	sadd.s32 $0x8F2B, s0  }
0xbe: {  	[sflag:s0] =	ssyncadd.remote.s32 $0x1  }
0xbf: {  	_ =	sfence.sel $0xFFFF  }
0xc0: {  	[dreg:$0x0] =	wrdreg $0xFFFFFFFF;
	(pc) =	sbr.abs _section_cstart, $3  }
0xc1: {  	[dreg:$0x1] =	wrdreg $0xFFFFFFFF  }
0xc2: {  	_ =	task.clear_ibuf [dreg:s7], $0x2FFFF;
	_ =	strace $0x9FFFFFFF  }
0xc3: {  	(tm) =	ssettm $0x7FFFFFFF  }
tec
execute0_lowered:
.L_overlay_start_1:
0x0: {  	(tag) =	ssettag $0x1  }
0x1: {  	s5 =	rddreg [dreg:$0x0]  }
0x2: {  	s0 =	srdreg.scid;
	s6 =	rddreg [dreg:$0x1]  }
0x3: {  	s1 =	rddreg [dreg:$0x2];
	s7 =	stileid.u32;
	s2 =	simm.s32 $0x0  }
0x4: {  	s13 =	simm.s32 $0x5000;
	s3 =	sand.u32 $0x1, s0;
	s0 =	rddreg [dreg:$0x3]  }
0x5: {  	s14 =	simm.s32 $0x1;
	s15 =	simm.s32 $0x0;
	[smem:$0x7FF] =	sst s2  }
0x6: {  	p0 =	sne.s32 s7, $0x0;
	s4 =	sshll.u32 s3, $0x4;
	_ =	strace $0x8000004D  }
0x7: {  	s9 =	smul.u32 $0x28000, s3;
	s10 =	ssub.s32 $0x2, s3;
	s4 =	sor.u32 s7, s4  }
0x8: {  	s3 =	sadd.s32 $0x34400, s6;
	s12 =	sshrl.u32 s10, $0x1;
	s8 =	smul.u32 $0x500, s4  }
0x9: {  	s4 =	sadd.s32 $0xC400, s6;
	s9 =	sadd.s32 s9, s6;
	s10 =	ssub.s32 s10, s12  }
0xa: {  	s12 =	simm.s32 $0x80;
	s7 =	sadd.s32 $0x5C400, s9;
	s9 =	sshrl.u32 @!p0 s1, $0x3  }
0xb: {  	s11 =	sadd.s32 s8, s6;
	s5 =	sadd.s32 s5, s8;
	s8 =	smax.u32 s10, $0x1  }
0xc: {  	s10 =	simm.s32 $0x2;
	s6 =	sadd.s32 $0x2400, s11;
	s11 =	simm.s32 $0x2800  }
.LBB2_1:
0xd: {  	s16 =	simm.s32 @!p0 $0x1C02  }
0xe: {  	[spmem:s9], [sflag:s16] =	dma.local @!p0 [hbm:s4], $0x28000  }
0xf: {  	s16 =	simm.s32 @!p0 $0x2  }
0x10: {  	_ =	swait.ge @!p0 [sflag:s16], $0x28000  }
0x11: {  	[sflag:s16] =	ssyncset.done @!p0 $0x0  }
0x12: {  	[sflag:s16] =	ssyncadd.s32 @!p0 $0xFFFD8000  }
0x13: {  	[tilespmem:s2], [sflag:$0x2] =	stream.linear.gather [hbm4b:s5+s2], $0x2780, $0x38;
	[tilespmem:$0x1D000] =	vst v63  }
0x14: {  	_ =	swait.ge [sflag:s10], $0x2780  }
0x15: {  	[sflag:s10] =	ssyncset.done $0x0  }
0x16: {  	[sflag:s10] =	ssyncadd.s32 $0xFFFFD880  }
0x17: {  	[tilespmem:s11], [sflag:$0x2] =	stream.linear.gather [hbm4b:s6+s2], $0x2780, $0x38;
	[tilespmem:$0x1D000] =	vst v63  }
0x18: {  	_ =	swait.ge [sflag:s10], $0x2780  }
0x19: {  	[sflag:s10] =	ssyncset.done $0x0  }
0x1a: {  	[sflag:s10] =	ssyncadd.s32 $0xFFFFD880  }
0x1b: {  	s30 =	simm.s32 $0x0;
	[bflag:$0x0] =	sbarrier.arrive $0xFFFF  }
0x1c: {  	[tilespmem:s13], [sflag:$0x1] =	stream.indirect.gather [hbm4b:s3+s12], $0x80, s30, s12, $0xb8;
	[tilespmem:$0x1D000] =	vst v63  }
0x1d: {  	_ =	swait.ge [sflag:s14], $0x4000  }
0x1e: {  	[sflag:s14] =	ssyncset.done $0x0  }
0x1f: {  	s31 =	simm.s32 $0x2800;
	[sflag:s14] =	ssyncadd.s32 $0xFFFFC000  }
0x20: {  	[spmem:s1] =	stream.indirect.scatter.add.f32 [tilespmem:s13], [sflag:$0x2], $0x80, s31, s12, $0xb8;
	[tilespmem:$0x1D000] =	vst v63  }
0x21: {  	_ =	swait.ge [sflag:s10], $0x4000  }
0x22: {  	s17 =	simm.s32 $0x400;
	s16 =	simm.s32 $0x200;
	[sflag:s10] =	ssyncset.done $0x0  }
.LBB2_2:
0x23: {  	s18 =	sshra.s32 s16, $0x2  }
0x24: {  	[sflag:s10] =	ssyncadd.s32 $0xFFFFC000;
	s16 =	smov.u32 s17;
	s19 =	sadd.s32 $0x200, s17  }
0x25: {  	[tilespmem:s13], [sflag:$0x1] =	stream.indirect.gather [hbm4b:s3+s12], $0x80, s18, s12, $0xb8;
	[tilespmem:$0x1D000] =	vst v63  }
0x26: {  	p1 =	sne.s32 s17, $0x9C00;
	_ =	swait.ge [sflag:s14], $0x4000  }
.Ltmp0:
0x27: {  	[sflag:s14] =	ssyncset.done $0x0;
	(pc) =	sbr.rel @p1 .LBB2_2-.Ltmp0, $4  }
0x28: {  	s17 =	sadd.s32 $0x2800, s18;
	[sflag:s14] =	ssyncadd.s32 $0xFFFFC000  }
0x29: {  	[spmem:s1] =	stream.indirect.scatter.add.f32 [tilespmem:s13], [sflag:$0x2], $0x80, s17, s12, $0xb8;
	[tilespmem:$0x1D000] =	vst v63  }
0x2a: {  	_ =	swait.ge [sflag:s10], $0x4000  }
0x2b: {  	s17 =	smov.u32 s19;
	[sflag:s10] =	ssyncset.done $0x0  }
0x2c: {  	s16 =	sshra.s32 s16, $0x2;
	[sflag:s10] =	ssyncadd.s32 $0xFFFFC000  }
0x2d: {  	[tilespmem:s13], [sflag:$0x1] =	stream.indirect.gather [hbm4b:s3+s12], $0x80, s16, s12, $0xb8;
	[tilespmem:$0x1D000] =	vst v63  }
0x2e: {  	_ =	swait.ge [sflag:s14], $0x4000  }
0x2f: {  	[sflag:s14] =	ssyncset.done $0x0  }
0x30: {  	s16 =	sadd.s32 $0x2800, s16;
	[sflag:s14] =	ssyncadd.s32 $0xFFFFC000  }
0x31: {  	[spmem:s1] =	stream.indirect.scatter.add.f32 [tilespmem:s13], [sflag:$0x2], $0x80, s16, s12, $0xb8;
	[tilespmem:$0x1D000] =	vst v63  }
0x32: {  	_ =	swait.ge [sflag:s10], $0x4000  }
0x33: {  	[sflag:s10] =	ssyncset.done $0x0  }
0x34: {  	s15 =	sadd.s32 $0x1, s15;
	[sflag:s10] =	ssyncadd.s32 $0xFFFFC000  }
0x35: {  	p1 =	sne.s32 s15, s8;
	s16 =	simm.s32 @!p0 $0x1C02;
	[bflag:$0x0] =	sbarrier.arrive $0xFFFF  }
0x36: {  	[hbm:s7], [sflag:s16] =	dma.local @!p0 [spmem:s9], $0x28000  }
.Ltmp1:
0x37: {  	_ = 	snop;
	(pc) =	sbr.rel @p1 .LBB2_1-.Ltmp1, $4  }
0x38: {  	s16 =	simm.s32 @!p0 $0x2  }
0x39: {  	_ =	swait.ge @!p0 [sflag:s16], $0x28000  }
0x3a: {  	[sflag:s16] =	ssyncset.done @!p0 $0x0  }
0x3b: {  	[sflag:s16] =	ssyncadd.s32 @!p0 $0xFFFD8000  }
0x3c: {  	_ =	sfence.sel $0x180000  }
0x3d: {  	[bflag:$0x0] =	sbarrier.arrive $0xFFFF  }
0x3e: {  	_ =	strace $0x9000004D  }
0x3f: {  	s0 =	sadd.s32 @!p0 $0x100000, s0;
	[bflag:$0x2] =	sbarrier.arrive $0xFFFF  }
0x40: {  	[sflag:s0] =	ssyncadd.tile.s32 @!p0 $0x1;
	_ =	shalt  }
.Lfunc_end2:
_tile_overlayer_lowered:
.L_overlay_start_2:
0x41: {  	(tag) =	ssettag $0x2  }
0x42: {  	s0 =	rddreg [dreg:$0x0];
	s2 =	stileid.u32  }
0x43: {  	s1 =	rddreg [dreg:$0x1];
	p0 =	sne.s32 s2, $0x0  }
0x44: {  	s3 =	rddreg [dreg:$0x2];
	[bflag:$0x3] =	sbarrier.arrive $0xFFFF;
	s2 =	simm.s32 @!p0 $0x1C02  }
0x45: {  	[timem:s3], [sflag:s2] =	dma.local @!p0 [hbm:s0], s1  }
0x46: {  	s0 =	simm.s32 @!p0 $0x2  }
0x47: {  	_ =	swait.ge @!p0 [sflag:s0], s1  }
0x48: {  	s1 =	ssub.s32 @!p0 $0x0, s1;
	[sflag:s0] =	ssyncset.done @!p0 $0x0  }
0x49: {  	[sflag:s0] =	ssyncadd.s32 @!p0 s1  }
0x4a: {  	[bflag:$0x3] =	sbarrier.arrive $0xFFFF  }
0x4b: {  	_ =	shalt  }

// kernel: kernel.8.cloned.1.call-start
scs
__scs_entry_jumppad:
0x0: {  	(pc) =	sbr.rel $0x88, $3  }
0x1: {  	(tag) =	ssettag $0x0;
	lr =	simm.s32 $0x1  }
0x2: {  	[smem:$0x3F9B] =	sst lr;
	_ =	strace $0xD0000000  }
0x3: {  	_ = 	snop  }
0x4: {  	_ = 	snop  }
0x5: {  	_ = 	snop  }
0x6: {  	_ = 	snop  }
0x7: {  	_ = 	snop  }
__scs_overlays_trampoline_lowered:
0x8: {  	[smem:$0x3FAA] =	sst s0  }
0x9: {  	[smem:$0x3FAB] =	sst s1  }
0xa: {  	[smem:$0x3FAC] =	sst s2  }
0xb: {  	[smem:$0x3FAD] =	sst s3  }
0xc: {  	[smem:$0x3FAE] =	sst s4  }
0xd: {  	[smem:$0x3FAF] =	sst s5  }
0xe: {  	[smem:$0x3FB0] =	sst s6  }
0xf: {  	[smem:$0x3FB1] =	sst s7  }
0x10: {  	[smem:$0x3FB2] =	sst s8  }
0x11: {  	[smem:$0x3FB3] =	sst s9;
	s0 =	simm.s32 @!p0 $0x0  }
0x12: {  	s1 =	sld [smem:$0x3F99];
	s0 =	simm.s32 @p0 $0x1  }
0x13: {  	[smem:$0x3FB4] =	sst s0;
	s0 =	simm.s32 @!p1 $0x0  }
0x14: {  	s2 =	sld [smem:$0x3F98];
	s0 =	simm.s32 @p1 $0x1  }
0x15: {  	[smem:$0x3FB5] =	sst s0;
	s0 =	simm.s32 @!p2 $0x0  }
0x16: {  	s3 =	sld [smem:$0x3FDB];
	s0 =	simm.s32 @p2 $0x1  }
0x17: {  	s4 =	simm.s32 $0x1BF5;
	[smem:$0x3FB7] =	sst s0  }
0x18: {  	s0 =	sld [smem:$0x3F9A];
	_ =	swait.ge [sflag:s4], $0x0  }
0x19: {  	s7 =	sld [smem:$0x3F9B]  }
0x1a: {  	s8 =	sadd.s32 $0xFFFFE003, lr  }
0x1b: {  	s9 =	sadd.s32 $0xFFFFFEF7, lr;
	s5 =	simm.s32 $0xFFFFFFFF;
	p2 =	slt.u32 s8, $0xFFFFF086  }
0x1c: {  	p1 =	slt.u32 s9, $0xF7A;
	s5 =	simm.s32 @!p2 $0x0  }
0x1d: {  	s5 =	simm.s32 @p1 $0x1;
	p0 =	seq.s32 s7, s2  }
0x1e: {  	s7 =	smul.u32 @!p0 $0xF7A, s2;
	p2 =	seq.s32 @!p0 s5, $0x0  }
0x1f: {  	s9 =	smul.u32 $0xF7A, s1;
	s8 =	simm.s32 @!p0 $0x1BF5;
	p2 =	por !p2, p0  }
0x20: {  	[sflag:s8] =	ssyncset.s32 @!p0 $0xFFFFF086;
	s6 =	sadd.s32 @!p0 s3, s7;
	s7 =	simm.s32 @!p0 $0x108  }
0x21: {  	s3 =	sadd.s32 s3, s9;
	s6 =	sadd.s32 @!p0 $0x88, s6;
	s7 =	simm.s32 @p2 $0x1082  }
0x22: {  	[simem:s7], [sflag:s8] =	dma.local @!p0 [hbm:s6], $0xF7A  }
0x23: {  	s9 =	sor.u32 $0xD0000000, s2;
	s6 =	simm.s32 $0x108;
	_ =	swait.ge @!p0 [sflag:s8], $0x0  }
0x24: {  	s3 =	sadd.s32 $0x88, s3;
	s6 =	simm.s32 @!p1 $0x1082;
	[sflag:s4] =	ssyncset.s32 $0xFFFFF086  }
0x25: {  	[simem:s6], [sflag:s4] =	dma.local [hbm:s3], $0xF7A  }
0x26: {  	[smem:$0x3F9B] =	sst s1;
	(tag) =	ssettag s2;
	_ =	strace s9  }
0x27: {  	s1 =	sld [smem:$0x3FAB]  }
0x28: {  	s2 =	sld [smem:$0x3FAC]  }
0x29: {  	s4 =	sld [smem:$0x3FAE]  }
0x2a: {  	p0 =	seq.s32 s5, $0x0;
	s5 =	sld [smem:$0x3FAF]  }
0x2b: {  	s6 =	sld [smem:$0x3FB0]  }
0x2c: {  	s7 =	sld [smem:$0x3FB1]  }
0x2d: {  	s3 =	simm.s32 $0x108;
	s8 =	sld [smem:$0x3FB2]  }
0x2e: {  	s3 =	simm.s32 @!p0 $0x1082;
	s9 =	sld [smem:$0x3FB3]  }
0x2f: {  	lr =	sadd.s32 s0, s3;
	s0 =	sld [smem:$0x3FAA]  }
0x30: {  	s3 =	sld [smem:$0x3FAD]  }
0x31: {  	[smem:$0x3FB6] =	sst s10  }
0x32: {  	s10 =	sld [smem:$0x3FB4];
	_ =	sdelay $0x3  }
0x33: {  	p0 =	seq.s32 s10, $0x1;
	s10 =	sld [smem:$0x3FB6];
	_ =	sdelay $0x3  }
0x34: {  	[smem:$0x3FB6] =	sst s10  }
0x35: {  	s10 =	sld [smem:$0x3FB5];
	_ =	sdelay $0x3  }
0x36: {  	p1 =	seq.s32 s10, $0x1;
	s10 =	sld [smem:$0x3FB6];
	_ =	sdelay $0x3  }
0x37: {  	[smem:$0x3FB6] =	sst s10  }
0x38: {  	s10 =	sld [smem:$0x3FB7]  }
0x39: {  	_ = 	snop;
	(pc) =	sbr.ind lr, $3  }
0x3a: {  	_ = 	snop  }
0x3b: {  	_ = 	snop  }
0x3c: {  	p2 =	seq.s32 s10, $0x1;
	s10 =	sld [smem:$0x3FB6]  }
0x3d: {  	_ =	shalt  }
0x3e: {  	_ =	shalt  }
0x3f: {  	_ =	shalt  }
0x40: {  	_ =	shalt  }
0x41: {  	_ =	shalt  }
0x42: {  	_ =	shalt  }
0x43: {  	_ =	shalt  }
0x44: {  	_ =	shalt  }
0x45: {  	_ =	shalt  }
0x46: {  	_ =	shalt  }
0x47: {  	_ =	shalt  }
0x48: {  	_ =	shalt  }
0x49: {  	_ =	shalt  }
0x4a: {  	_ =	shalt  }
0x4b: {  	_ =	shalt  }
0x4c: {  	_ =	shalt  }
0x4d: {  	_ =	shalt  }
0x4e: {  	_ =	shalt  }
0x4f: {  	_ =	shalt  }
0x50: {  	_ =	shalt  }
0x51: {  	_ =	shalt  }
0x52: {  	_ =	shalt  }
0x53: {  	_ =	shalt  }
0x54: {  	_ =	shalt  }
0x55: {  	_ =	shalt  }
0x56: {  	_ =	shalt  }
0x57: {  	_ =	shalt  }
0x58: {  	_ =	shalt  }
0x59: {  	_ =	shalt  }
0x5a: {  	_ =	shalt  }
0x5b: {  	_ =	shalt  }
0x5c: {  	_ =	shalt  }
0x5d: {  	_ =	shalt  }
0x5e: {  	_ =	shalt  }
0x5f: {  	_ =	shalt  }
0x60: {  	_ =	shalt  }
0x61: {  	_ =	shalt  }
0x62: {  	_ =	shalt  }
0x63: {  	_ =	shalt  }
0x64: {  	_ =	shalt  }
0x65: {  	_ =	shalt  }
0x66: {  	_ =	shalt  }
0x67: {  	_ =	shalt  }
0x68: {  	_ =	shalt  }
0x69: {  	_ =	shalt  }
0x6a: {  	_ =	shalt  }
0x6b: {  	_ =	shalt  }
0x6c: {  	_ =	shalt  }
0x6d: {  	_ =	shalt  }
0x6e: {  	_ =	shalt  }
0x6f: {  	_ =	shalt  }
0x70: {  	_ =	shalt  }
0x71: {  	_ =	shalt  }
0x72: {  	_ =	shalt  }
0x73: {  	_ =	shalt  }
0x74: {  	_ =	shalt  }
0x75: {  	_ =	shalt  }
0x76: {  	_ =	shalt  }
0x77: {  	_ =	shalt  }
0x78: {  	_ =	shalt  }
0x79: {  	_ =	shalt  }
0x7a: {  	_ =	shalt  }
0x7b: {  	_ =	shalt  }
0x7c: {  	_ =	shalt  }
0x7d: {  	_ =	shalt  }
0x7e: {  	_ =	shalt  }
0x7f: {  	_ =	shalt  }
0x80: {  	_ =	shalt  }
0x81: {  	_ =	shalt  }
0x82: {  	_ =	shalt  }
0x83: {  	_ =	shalt  }
0x84: {  	_ =	shalt  }
0x85: {  	_ =	shalt  }
0x86: {  	_ =	shalt  }
0x87: {  	_ =	shalt  }
.Lfunc_end0:
.L_simem_size_0:
called_computation_lowered:
.L_overlay_start_0:
0x88: {  	s2 =	sld [smem:$0x3FD9]  }
0x89: {  	s3 =	sld [smem:$0x3FFE];
	_ =	sdelay $0x1  }
0x8a: {  	s1 =	srdreg.scid  }
0x8b: {  	s0 =	sand.u32 $0x1, s1  }
0x8c: {  	s16 =	sshll.u32 s0, $0xA;
	s2 =	sadd.s32 s3, s2  }
0x8d: {  	s2 =	sadd.s32 s2, s16  }
0x8e: {  	[smem:$0x3FC2] =	sst s2  }
0x8f: {  	_ = 	snop  }
0x90: {  	(tm) =	ssettm $0x1  }
0x91: {  	s17 =	sld [smem:$0x3FFB];
	_ =	sdelay $0x3  }
0x92: {  	_ =	strace s17  }
0x93: {  	s2 =	sld [smem:$0x3FFC];
	_ =	sdelay $0x3  }
0x94: {  	_ =	strace s2  }
0x95: {  	s2 =	sld [smem:$0x3FFD];
	_ =	sdelay $0x3  }
0x96: {  	_ =	strace s2  }
0x97: {  	_ =	strace $0x8FFFFFFF  }
0x98: {  	s18 =	sld [smem:$0x3FDB];
	_ =	sdelay $0x1  }
0x99: {  	s19 =	simm.s32 $_scs_section_size  }
0x9a: {  	s4 =	simm.s32 $_size__tile_overlayer_lowered;
	s5 =	simm.s32 $_tile_overlayer_lowered  }
0x9b: {  	s22 =	simm.s32 $0x1BFF;
	s21 =	sshll.u32 s5, $0x1;
	s2 =	sadd.s32 s19, s18  }
0x9c: {  	s6 =	simm.s32 $0x0;
	s20 =	sshll.u32 s4, $0x1;
	s4 =	sadd.s32 s21, s2  }
0x9d: {  	[timem:s6], [sflag:s22] =	dma.local [hbm:s4], s20  }
0x9e: {  	_ =	swait.ge [sflag:s22], s20  }
0x9f: {  	s3 =	ssub.s32 $0x0, s20;
	[sflag:s22] =	ssyncset.done $0x0  }
0xa0: {  	[sflag:s22] =	ssyncadd.s32 s3;
	_ =	sdelay $0x1  }
0xa1: {  	s23 =	simm.s32 $0x1B8B  }
0xa2: {  	_ =	swait.ge [sflag:s23], $0x1  }
0xa3: {  	[sflag:s23] =	ssyncset.done $0x0  }
0xa4: {  	s25 =	simm.s32 $0x1B8E;
	s24 =	sld [smem:$0x3FFE];
	[sflag:s23] =	ssyncadd.s32 $0xFFFFFFFF  }
0xa5: {  	s26 =	simm.s32 $execute0_lowered;
	[smem:$0x3FD2] =	sst s25  }
0xa6: {  	s4 =	sshll.u32 s26, $0x1;
	_ =	strace $0x80000046;
	[dreg:$0x1] =	wrdreg $0xFFFFFFFF  }
0xa7: {  	s28 =	simm.s32 $_size_execute0_lowered;
	s2 =	sadd.s32 s2, s4;
	[dreg:$0x0] =	wrdreg $0x0  }
0xa8: {  	s4 =	sshll.u32 s28, $0x1;
	[dreg:$0x2] =	wrdreg s2  }
0xa9: {  	[dreg:$0x3] =	wrdreg s4  }
0xaa: {  	[dreg:$0x4] =	wrdreg $0xC0  }
0xab: {  	_ =	task [dreg:s6], $0x5FFFF  }
0xac: {  	[dreg:$0x1] =	wrdreg $0xFFFFFFFF  }
0xad: {  	[dreg:$0x0] =	wrdreg $0x60  }
0xae: {  	[dreg:$0x2] =	wrdreg s24  }
0xaf: {  	[dreg:$0x3] =	wrdreg $0x68000  }
0xb0: {  	[dreg:$0x4] =	wrdreg $0x9  }
0xb1: {  	_ =	task.clear_ibuf [dreg:s6], $0x5FFFF;
	_ =	strace $0x90000046  }
0xb2: {  	s29 =	simm.s32 $0x9;
	_ =	strace $0x80000048  }
0xb3: {  	_ =	swait.ge [sflag:s29], $0x1  }
0xb4: {  	[sflag:s29] =	ssyncadd.s32 $0xFFFFFFFF  }
0xb5: {  	_ =	strace $0x90000048  }
0xb6: {  	_ =	sfence  }
0xb7: {  	s30 =	sld [smem:$0x0];
	_ =	sdelay $0x2  }
0xb8: {  	s31 =	sshll.u32 s1, $0xD;
	s1 =	sshrl.u32 s1, $0x2  }
0xb9: {  	s3 =	sand.u32 $0x4000, s31;
	s1 =	sadd.s32 s1, s30  }
0xba: {  	s0 =	sor.u32 s3, s0;
	s1 =	sshll.u32 s1, $0x11  }
0xbb: {  	s0 =	sor.u32 s1, s0  }
0xbc: {  	s0 =	sadd.s32 $0x8F2B, s0  }
0xbd: {  	[sflag:s0] =	ssyncadd.remote.s32 $0x1  }
0xbe: {  	_ =	sfence.sel $0xFFFF  }
0xbf: {  	[dreg:$0x0] =	wrdreg $0xFFFFFFFF;
	(pc) =	sbr.abs _section_cstart, $3  }
0xc0: {  	[dreg:$0x1] =	wrdreg $0xFFFFFFFF  }
0xc1: {  	_ =	task.clear_ibuf [dreg:s6], $0x2FFFF;
	_ =	strace $0x9FFFFFFF  }
0xc2: {  	(tm) =	ssettm $0x7FFFFFFF  }
0xc3: {  	_ =	shalt  }
tec
execute0_lowered:
.L_overlay_start_1:
0x0: {  	(tag) =	ssettag $0x1  }
0x1: {  	s0 =	srdreg.scid;
	s5 =	rddreg [dreg:$0x0]  }
0x2: {  	s1 =	rddreg [dreg:$0x1];
	s7 =	stileid.u32;
	s2 =	simm.s32 $0x0  }
0x3: {  	s11 =	simm.s32 $0x80;
	s3 =	sand.u32 $0x1, s0;
	s0 =	rddreg [dreg:$0x2]  }
0x4: {  	s12 =	simm.s32 $0x0;
	[smem:$0x7FF] =	sst s2;
	p0 =	sne.s32 s7, $0x0  }
0x5: {  	s4 =	sshll.u32 s3, $0x4;
	_ =	strace $0x80000047;
	s6 =	smul.u32 $0x28000, s3  }
0x6: {  	s8 =	ssub.s32 $0x2, s3;
	s3 =	sadd.s32 $0xC400, s5;
	s4 =	sor.u32 s7, s4  }
0x7: {  	s10 =	sshrl.u32 s8, $0x1;
	s4 =	smul.u32 $0x500, s4;
	s6 =	sadd.s32 s6, s5  }
0x8: {  	s8 =	ssub.s32 s8, s10;
	s10 =	simm.s32 $0x2800;
	s6 =	sadd.s32 $0x34C00, s6  }
0x9: {  	s7 =	smax.u32 s8, $0x1;
	s8 =	sshrl.u32 @!p0 s1, $0x3;
	s9 =	sadd.s32 s4, s5  }
0xa: {  	s4 =	sadd.s32 $0x34400, s5;
	s5 =	sadd.s32 $0x2400, s9;
	s9 =	simm.s32 $0x1  }
.LBB2_1:
0xb: {  	s13 =	simm.s32 @!p0 $0x1C01  }
0xc: {  	[spmem:s8], [sflag:s13] =	dma.local @!p0 [hbm:s3], $0x28000  }
0xd: {  	s13 =	simm.s32 @!p0 $0x1  }
0xe: {  	_ =	swait.ge @!p0 [sflag:s13], $0x28000  }
0xf: {  	[sflag:s13] =	ssyncset.done @!p0 $0x0  }
0x10: {  	[sflag:s13] =	ssyncadd.s32 @!p0 $0xFFFD8000  }
0x11: {  	[tilespmem:s2], [sflag:$0x1] =	stream.linear.gather [hbm4b:s5+s2], $0x2780, $0x38;
	[tilespmem:$0x1A800] =	vst v63  }
0x12: {  	_ =	swait.ge [sflag:s9], $0x2780  }
0x13: {  	[sflag:s9] =	ssyncset.done $0x0  }
0x14: {  	[sflag:s9] =	ssyncadd.s32 $0xFFFFD880  }
0x15: {  	[tilespmem:s10], [sflag:$0x1] =	stream.linear.gather [hbm4b:s4+s2], $0x4000, $0x38;
	[tilespmem:$0x1A800] =	vst v63  }
0x16: {  	_ =	swait.ge [sflag:s9], $0x4000  }
0x17: {  	[sflag:s9] =	ssyncset.done $0x0  }
0x18: {  	[sflag:s9] =	ssyncadd.s32 $0xFFFFC000  }
0x19: {  	s31 =	simm.s32 $0x0;
	[bflag:$0x0] =	sbarrier.arrive $0xFFFF  }
0x1a: {  	[spmem:s1] =	stream.indirect.scatter.add.f32 [tilespmem:s10], [sflag:$0x1], $0x80, s31, s11, $0xb8;
	[tilespmem:$0x1A800] =	vst v63  }
0x1b: {  	_ =	swait.ge [sflag:s9], $0x4000  }
0x1c: {  	s13 =	simm.s32 $0x200;
	[sflag:s9] =	ssyncset.done $0x0  }
.LBB2_2:
0x1d: {  	s14 =	sshra.s32 s13, $0x2;
	[sflag:s9] =	ssyncadd.s32 $0xFFFFC000;
	p1 =	sne.s32 s13, $0x9C00  }
0x1e: {  	[spmem:s1] =	stream.indirect.scatter.add.f32 [tilespmem:s10], [sflag:$0x1], $0x80, s14, s11, $0xb8;
	[tilespmem:$0x1A800] =	vst v63  }
.Ltmp0:
0x1f: {  	_ = 	snop;
	(pc) =	sbr.rel @p1 .LBB2_2-.Ltmp0, $4  }
0x20: {  	_ = 	snop  }
0x21: {  	s13 =	sadd.s32 $0x200, s13  }
0x22: {  	_ =	swait.ge [sflag:s9], $0x4000  }
0x23: {  	[sflag:s9] =	ssyncset.done $0x0  }
0x24: {  	[sflag:s9] =	ssyncadd.s32 $0xFFFFC000;
	s12 =	sadd.s32 $0x1, s12  }
0x25: {  	s13 =	simm.s32 @!p0 $0x1C01;
	[bflag:$0x0] =	sbarrier.arrive $0xFFFF;
	p1 =	sne.s32 s12, s7  }
0x26: {  	[hbm:s6], [sflag:s13] =	dma.local @!p0 [spmem:s8], $0x28000  }
.Ltmp1:
0x27: {  	_ = 	snop;
	(pc) =	sbr.rel @p1 .LBB2_1-.Ltmp1, $4  }
0x28: {  	s13 =	simm.s32 @!p0 $0x1  }
0x29: {  	_ =	swait.ge @!p0 [sflag:s13], $0x28000  }
0x2a: {  	[sflag:s13] =	ssyncset.done @!p0 $0x0  }
0x2b: {  	[sflag:s13] =	ssyncadd.s32 @!p0 $0xFFFD8000  }
0x2c: {  	_ =	sfence.sel $0x180000  }
0x2d: {  	[bflag:$0x0] =	sbarrier.arrive $0xFFFF  }
0x2e: {  	_ =	strace $0x90000047  }
0x2f: {  	s0 =	sadd.s32 @!p0 $0x100000, s0;
	[bflag:$0x2] =	sbarrier.arrive $0xFFFF  }
0x30: {  	[sflag:s0] =	ssyncadd.tile.s32 @!p0 $0x1;
	_ =	shalt  }
.Lfunc_end2:
_tile_overlayer_lowered:
.L_overlay_start_2:
0x31: {  	(tag) =	ssettag $0x2  }
0x32: {  	s0 =	rddreg [dreg:$0x0];
	s2 =	stileid.u32  }
0x33: {  	s1 =	rddreg [dreg:$0x1];
	p0 =	sne.s32 s2, $0x0  }
0x34: {  	s3 =	rddreg [dreg:$0x2];
	[bflag:$0x3] =	sbarrier.arrive $0xFFFF;
	s2 =	simm.s32 @!p0 $0x1C01  }
0x35: {  	[timem:s3], [sflag:s2] =	dma.local @!p0 [hbm:s0], s1  }
0x36: {  	s0 =	simm.s32 @!p0 $0x1  }
0x37: {  	_ =	swait.ge @!p0 [sflag:s0], s1  }
0x38: {  	s1 =	ssub.s32 @!p0 $0x0, s1;
	[sflag:s0] =	ssyncset.done @!p0 $0x0  }
0x39: {  	[sflag:s0] =	ssyncadd.s32 @!p0 s1  }
0x3a: {  	[bflag:$0x3] =	sbarrier.arrive $0xFFFF  }
0x3b: {  	_ =	shalt  }

</sc_bundles>
